<compile_context>
chip_gen: v7x
topology: tpu7x:2x2x1
jax: 0.10.2.dev20260603
libtpu: 0.0.44.dev20260713+nightly
codegen_flags: <defaults>
</compile_context>

<pallas_src>
import dataclasses
import functools

import jax
import jax.numpy as jnp
from jax import lax
from jax.experimental import pallas as pl
from jax.experimental.pallas import tpu as pltpu
from jax.experimental.pallas import tpu_sc as plsc

B, C = 16384, 128
NC, NS, L = 2, 16, 16
NW = NC * NS

B_SC = 5120
B_TC = B - B_SC
ROWS_W = B_SC // NW
GROUPS = ROWS_W // L
TC_BLK = 512

K1 = (C - 1) * C / 2.0
K2 = (C - 1) * C * (2 * C - 1) / 6.0

_LOG_COEF = (-0.4999787968537313, 0.3329927009552784, -0.2522938406378299,
             0.21555846203067847, -0.14578536377759582)


def _logf(y):
    yi = lax.bitcast_convert_type(y, jnp.int32)
    sh = lax.shift_right_logical(yi + 0x4AFB0D, 23)
    e = (sh - 127).astype(jnp.float32)
    m = y * lax.bitcast_convert_type(lax.shift_left(254 - sh, 23), jnp.float32)
    z = m - jnp.float32(1.0)
    p = jnp.float32(_LOG_COEF[-1])
    for c in _LOG_COEF[-2::-1]:
        p = p * z + jnp.float32(c)
    return z + z * z * p + e * jnp.float32(0.6931471805599453)


_mesh = plsc.VectorSubcoreMesh(core_axis_name="core", subcore_axis_name="subcore")

_cp = pltpu.CompilerParams()
if "needs_layout_passes" in pltpu.CompilerParams.__dataclass_fields__:
    _cp = dataclasses.replace(_cp, needs_layout_passes=False)


@functools.partial(
    pl.kernel,
    compiler_params=_cp,
    out_type=jax.ShapeDtypeStruct((NW, L), jnp.float32),
    mesh=_mesh,
    scratch_types=[
        pltpu.VMEM((ROWS_W, C), jnp.float32),
        pltpu.VMEM((ROWS_W,), jnp.int32),
        pltpu.VMEM((C,), jnp.float32),
        pltpu.VMEM((C, L), jnp.float32),
        pltpu.VMEM((L,), jnp.float32),
        pltpu.SemaphoreType.DMA,
    ],
)
def _sc_loss(x_hbm, t_hbm, w_hbm, out_hbm, x_v, t_v, w_v, e_v, acc_v, dsem):
    wid = lax.axis_index("subcore") * NC + lax.axis_index("core")
    half = ROWS_W // 2
    base = wid * ROWS_W
    upper = pltpu.async_copy(
        x_hbm.at[pl.ds(base + half, half)], x_v.at[pl.ds(half, half)], dsem)
    pltpu.sync_copy(x_hbm.at[pl.ds(base, half)], x_v.at[pl.ds(0, half)])
    pltpu.sync_copy(t_hbm.at[pl.ds(base, ROWS_W)], t_v)
    pltpu.sync_copy(w_hbm, w_v)

    iota = lax.broadcasted_iota(jnp.int32, (L,), 0)

    def group_body(g, acc):
        t = t_v[pl.ds(g * L, L)]
        tf = t.astype(jnp.float32)
        rows = g * L + iota
        s_t = jnp.float32(C) * tf * tf - jnp.float32(2.0 * K1) * tf + jnp.float32(K2)
        scale = jnp.float32(C - 1) / s_t

        @plsc.parallel_loop(0, C, unroll=8, carry=jnp.zeros((L,), jnp.float32))
        def z_acc(j, z):
            cw = jnp.bitwise_and(iota + j, C - 1)
            xv = plsc.load_gather(x_v, [rows, cw])
            e = jnp.exp(xv)
            e_v[j] = e
            return z + e

        inv_z = jnp.float32(1.0) / z_acc
        log_z = _logf(z_acc)

        xt = plsc.load_gather(x_v, [rows, t])
        wt = plsc.load_gather(w_v, [t])
        acc = acc + wt * (xt - log_z)

        @plsc.parallel_loop(0, C, unroll=8, carry=jnp.zeros((L,), jnp.float32))
        def nt(j, ntc):
            cw = jnp.bitwise_and(iota + j, C - 1)
            cf = cw.astype(jnp.float32)
            s = e_v[j] * inv_z
            lg = _logf(jnp.float32(1.0) - s)
            wj = plsc.load_gather(w_v, [cw])
            dj = cf - tf
            return ntc + (dj * dj) * lg * wj

        return acc + scale * nt

    acc = lax.fori_loop(0, GROUPS // 2, group_body, jnp.zeros((L,), jnp.float32))
    upper.wait()
    acc = lax.fori_loop(GROUPS // 2, GROUPS, group_body, acc)
    acc_v[...] = acc * jnp.float32(-1.0 / 1000.0)
    pltpu.sync_copy(acc_v, out_hbm.at[wid])


def _tc_loss_body(x_ref, t_ref, w_ref, o_ref):
    x = x_ref[...]
    e = jnp.exp(x)
    z = jnp.sum(e, axis=1, keepdims=True)
    s = e / z
    log_sm = x - jnp.log(z)
    tf = t_ref[0, 0, :].astype(jnp.float32)[:, None]
    colf = lax.broadcasted_iota(jnp.int32, (TC_BLK, C), 1).astype(jnp.float32)
    s_t = jnp.float32(C) * tf * tf - jnp.float32(2.0 * K1) * tf + jnp.float32(K2)
    scale = jnp.float32(C - 1) / s_t
    w = w_ref[0, :][None, :]
    dsq = (colf - tf) * (colf - tf)
    contrib = jnp.where(
        colf == tf,
        w * log_sm,
        w * scale * dsq * _logf(jnp.float32(1.0) - s))
    bs = jnp.sum(contrib)[None, None]

    @pl.when(pl.program_id(0) == 0)
    def _():
        o_ref[...] = jnp.zeros_like(o_ref)

    o_ref[...] = o_ref[...] + bs


def _tc_loss(inputs, tgt_f, weight):
    return pl.pallas_call(
        _tc_loss_body,
        grid=(B_TC // TC_BLK,),
        in_specs=[
            pl.BlockSpec((TC_BLK, C), lambda i: (B_SC // TC_BLK + i, 0)),
            pl.BlockSpec((1, 1, TC_BLK), lambda i: (B_SC // TC_BLK + i, 0, 0)),
            pl.BlockSpec((1, C), lambda i: (0, 0)),
        ],
        out_specs=pl.BlockSpec((1, 1), lambda i: (0, 0)),
        out_shape=jax.ShapeDtypeStruct((1, 1), jnp.float32),
    )(inputs, tgt_f, weight[None, :])


def kernel(inputs, target, weight):
    t3 = target.reshape(B // TC_BLK, 1, TC_BLK)
    sc_partials = _sc_loss(inputs, target, weight)
    tc_partial = _tc_loss(inputs, t3, weight)
    return jnp.sum(sc_partials) + tc_partial[0, 0] * jnp.float32(-1.0 / 1000.0)

# --- scband reference (transcript-rebuilt; emitter-appended) ---
"""Pipeline reference for scband-msecross-entropy-loss-39479339384834 (READ-ONLY COPY).

The authoritative reference and input builder live on the scoring server;
editing this copy changes nothing except your own understanding.
"""

import jax, jax.numpy as jnp
import numpy as np

B, C = 16384, 128

def setup_inputs(seed: int = 0):
    key = jax.random.key(seed)
    k1, k2 = jax.random.split(key)
    inputs = jax.random.normal(k1, (B, C), dtype=jnp.float32)
    target = jax.random.randint(k2, (B,), 0, C, dtype=jnp.int32)
    weight = jnp.ones((C,), dtype=jnp.float32)
    return {"inputs": inputs, "target": target, "weight": weight}

def distance(target, classes):
    # vectorized version of the python loop: row i is arange(-t_i, C-t_i)**2,
    # normalized by sum/(C-1), then position t_i overwritten with 1
    n = target.shape[0]
    j = jnp.arange(classes, dtype=jnp.float32)
    cur = jnp.square(j[None, :] - target[:, None].astype(jnp.float32))
    cur = cur / (jnp.sum(cur, axis=1, keepdims=True) / (classes - 1))
    cur = cur.at[jnp.arange(n), target].set(1.0)
    return cur

def reference(inputs, target, weight):
    output = jax.nn.softmax(inputs, axis=1)
    output = output - 1.0
    rows = jnp.arange(inputs.shape[0])
    # scatter_add of a ones column at (i, target_i)
    output = output.at[rows, target].add(1.0)
    output = jnp.abs(output)
    output = jnp.log(output)
    output = output * weight[None, :]
    dists = distance(target, inputs.shape[1])
    output = output * dists
    loss = jnp.sum(output) / 1000.0
    return -loss

if __name__ == "__main__":
    import jax
    _d = setup_inputs()
    print(jax.jit(kernel)(*tuple(_d.values())))

</pallas_src>

<mosaic_0001>
#map = affine_map<(d0, d1) -> (0, 0)>
#map1 = affine_map<(d0, d1) -> (0)>
module attributes {stable_mosaic.version = 14 : i64} {
  func.func @_sc_loss(%arg0: i32, %arg1: i32, %arg2: memref<16384x128xf32, #tpu.memory_space<hbm>>, %arg3: memref<16384xi32, #tpu.memory_space<hbm>>, %arg4: memref<128xf32, #tpu.memory_space<hbm>>, %arg5: memref<32x16xf32, #tpu.memory_space<hbm>>, %arg6: memref<160x128xf32, #tpu.memory_space<vmem>>, %arg7: memref<160xi32, #tpu.memory_space<vmem>>, %arg8: memref<128xf32, #tpu.memory_space<vmem>>, %arg9: memref<128x16xf32, #tpu.memory_space<vmem>>, %arg10: memref<16xf32, #tpu.memory_space<vmem>>, %arg11: memref<!tpu.dma_semaphore, #tpu.memory_space<semaphore_mem>>) attributes {dimension_semantics = [#tpu.dimension_semantics<core_parallel>, #tpu.dimension_semantics<subcore_parallel>], iteration_bounds = array<i64: 2, 16>, scalar_prefetch = 0 : i64, scratch_operands = 6 : i64, tpu.core_type = #tpu.core_type<sc_vector_subcore>, window_params = [{transform_indices = #map}, {transform_indices = #map1}, {transform_indices = #map1}, {transform_indices = #map}]} {
    %mul3A = arith.constant 2 : i32
    %mul3A_0 = arith.muli %arg1, %mul3A : i32
    %add3A = arith.addi %mul3A_0, %arg0 : i32
    %mul3A_1 = arith.constant 160 : i32
    %mul3A_2 = arith.muli %add3A, %mul3A_1 : i32
    %add3A_3 = arith.constant 80 : i32
    %add3A_4 = arith.addi %mul3A_2, %add3A_3 : i32
    %dma_start3A = arith.constant 80 : i32
    %dma_start3A_5 = arith.constant 0 : i32
    %dma_start3A_6 = tpu.memref_slice %arg6[%dma_start3A, %dma_start3A_5] : memref<160x128xf32, #tpu.memory_space<vmem>> -> memref<80x128xf32, #tpu.memory_space<vmem>>
    %dma_start3A_7 = arith.constant 0 : i32
    %dma_start3A_8 = tpu.memref_slice %arg2[%add3A_4, %dma_start3A_7] : memref<16384x128xf32, #tpu.memory_space<hbm>> -> memref<80x128xf32, #tpu.memory_space<hbm>>
    %dma_start3A_9 = arith.constant 80 : i32
    %dma_start3A_10 = arith.constant 0 : i32
    %dma_start3A_11 = tpu.memref_slice %arg6[%dma_start3A_9, %dma_start3A_10] : memref<160x128xf32, #tpu.memory_space<vmem>> -> memref<80x128xf32, #tpu.memory_space<vmem>>
    %dma_start3A_12 = arith.constant 0 : i32
    %dma_start3A_13 = tpu.memref_slice %arg2[%add3A_4, %dma_start3A_12] : memref<16384x128xf32, #tpu.memory_space<hbm>> -> memref<80x128xf32, #tpu.memory_space<hbm>>
    tpu.enqueue_dma source(%dma_start3A_13 : memref<80x128xf32, #tpu.memory_space<hbm>>) target(%dma_start3A_11 : memref<80x128xf32, #tpu.memory_space<vmem>>) target_semaphore(%arg11 : memref<!tpu.dma_semaphore, #tpu.memory_space<semaphore_mem>>)
    "tpu.region"() ({
      %run_scoped3A = tpu.sem_alloc : memref<!tpu.dma_semaphore, #tpu.memory_space<semaphore_mem>>
      %dma_start3A_39 = arith.constant 0 : i32
      %dma_start3A_40 = arith.constant 0 : i32
      %dma_start3A_41 = tpu.memref_slice %arg6[%dma_start3A_39, %dma_start3A_40] : memref<160x128xf32, #tpu.memory_space<vmem>> -> memref<80x128xf32, #tpu.memory_space<vmem>>
      %dma_start3A_42 = arith.constant 0 : i32
      %dma_start3A_43 = tpu.memref_slice %arg2[%mul3A_2, %dma_start3A_42] : memref<16384x128xf32, #tpu.memory_space<hbm>> -> memref<80x128xf32, #tpu.memory_space<hbm>>
      %dma_start3A_44 = arith.constant 0 : i32
      %dma_start3A_45 = arith.constant 0 : i32
      %dma_start3A_46 = tpu.memref_slice %arg6[%dma_start3A_44, %dma_start3A_45] : memref<160x128xf32, #tpu.memory_space<vmem>> -> memref<80x128xf32, #tpu.memory_space<vmem>>
      %dma_start3A_47 = arith.constant 0 : i32
      %dma_start3A_48 = tpu.memref_slice %arg2[%mul3A_2, %dma_start3A_47] : memref<16384x128xf32, #tpu.memory_space<hbm>> -> memref<80x128xf32, #tpu.memory_space<hbm>>
      tpu.enqueue_dma source(%dma_start3A_48 : memref<80x128xf32, #tpu.memory_space<hbm>>) target(%dma_start3A_46 : memref<80x128xf32, #tpu.memory_space<vmem>>) target_semaphore(%run_scoped3A : memref<!tpu.dma_semaphore, #tpu.memory_space<semaphore_mem>>)
      %dma_wait3A_49 = arith.constant 0 : i32
      %dma_wait3A_50 = arith.constant 0 : i32
      %dma_wait3A_51 = tpu.memref_slice %arg6[%dma_wait3A_49, %dma_wait3A_50] : memref<160x128xf32, #tpu.memory_space<vmem>> -> memref<80x128xf32, #tpu.memory_space<vmem>>
      %dma_wait3A_52 = arith.constant 0 : i32
      %dma_wait3A_53 = tpu.memref_slice %arg2[%mul3A_2, %dma_wait3A_52] : memref<16384x128xf32, #tpu.memory_space<hbm>> -> memref<80x128xf32, #tpu.memory_space<hbm>>
      %dma_wait3A_54 = arith.constant 0 : i32
      %dma_wait3A_55 = arith.constant 0 : i32
      %dma_wait3A_56 = tpu.memref_slice %arg6[%dma_wait3A_54, %dma_wait3A_55] : memref<160x128xf32, #tpu.memory_space<vmem>> -> memref<80x128xf32, #tpu.memory_space<vmem>>
      %dma_wait3A_57 = arith.constant 0 : i32
      %dma_wait3A_58 = tpu.memref_slice %arg2[%mul3A_2, %dma_wait3A_57] : memref<16384x128xf32, #tpu.memory_space<hbm>> -> memref<80x128xf32, #tpu.memory_space<hbm>>
      tpu.wait_dma2 semaphore(%run_scoped3A : memref<!tpu.dma_semaphore, #tpu.memory_space<semaphore_mem>>) src(%dma_wait3A_58 : memref<80x128xf32, #tpu.memory_space<hbm>>) dst(%dma_wait3A_56 : memref<80x128xf32, #tpu.memory_space<vmem>>)
      tpu.yield
    }) : () -> ()
    "tpu.region"() ({
      %run_scoped3A = tpu.sem_alloc : memref<!tpu.dma_semaphore, #tpu.memory_space<semaphore_mem>>
      %dma_start3A_39 = tpu.memref_slice %arg3[%mul3A_2] : memref<16384xi32, #tpu.memory_space<hbm>> -> memref<160xi32, #tpu.memory_space<hbm>>
      %dma_start3A_40 = tpu.memref_slice %arg3[%mul3A_2] : memref<16384xi32, #tpu.memory_space<hbm>> -> memref<160xi32, #tpu.memory_space<hbm>>
      tpu.enqueue_dma source(%dma_start3A_40 : memref<160xi32, #tpu.memory_space<hbm>>) target(%arg7 : memref<160xi32, #tpu.memory_space<vmem>>) target_semaphore(%run_scoped3A : memref<!tpu.dma_semaphore, #tpu.memory_space<semaphore_mem>>)
      %dma_wait3A_41 = tpu.memref_slice %arg3[%mul3A_2] : memref<16384xi32, #tpu.memory_space<hbm>> -> memref<160xi32, #tpu.memory_space<hbm>>
      %dma_wait3A_42 = tpu.memref_slice %arg3[%mul3A_2] : memref<16384xi32, #tpu.memory_space<hbm>> -> memref<160xi32, #tpu.memory_space<hbm>>
      tpu.wait_dma2 semaphore(%run_scoped3A : memref<!tpu.dma_semaphore, #tpu.memory_space<semaphore_mem>>) src(%dma_wait3A_42 : memref<160xi32, #tpu.memory_space<hbm>>) dst(%arg7 : memref<160xi32, #tpu.memory_space<vmem>>)
      tpu.yield
    }) : () -> ()
    "tpu.region"() ({
      %run_scoped3A = tpu.sem_alloc : memref<!tpu.dma_semaphore, #tpu.memory_space<semaphore_mem>>
      tpu.enqueue_dma source(%arg4 : memref<128xf32, #tpu.memory_space<hbm>>) target(%arg8 : memref<128xf32, #tpu.memory_space<vmem>>) target_semaphore(%run_scoped3A : memref<!tpu.dma_semaphore, #tpu.memory_space<semaphore_mem>>)
      tpu.wait_dma2 semaphore(%run_scoped3A : memref<!tpu.dma_semaphore, #tpu.memory_space<semaphore_mem>>) src(%arg4 : memref<128xf32, #tpu.memory_space<hbm>>) dst(%arg8 : memref<128xf32, #tpu.memory_space<vmem>>)
      tpu.yield
    }) : () -> ()
    %iota3A = tpu.iota {dimensions = array<i32: 0>} : vector<16xi32>
    %broadcast_in_dim3A = arith.constant 0.000000e+00 : f32
    %broadcast_in_dim3A_14 = vector.broadcast %broadcast_in_dim3A : f32 to vector<16xf32>
    %scan3A = arith.constant 0 : i32
    %scan3A_15 = arith.constant 5 : i32
    %scan3A_16 = arith.addi %scan3A, %scan3A_15 : i32
    %scan3A_17 = arith.constant 1 : i32
    %scan3A_18 = scf.for %scan3A_39 = %scan3A to %scan3A_16 step %scan3A_17 iter_args(%scan3A_40 = %broadcast_in_dim3A_14) -> (vector<16xf32>)  : i32 {
      %mul3A_41 = arith.constant 16 : i32
      %mul3A_42 = arith.muli %scan3A_39, %mul3A_41 : i32
      %get3A = arith.index_cast %mul3A_42 : i32 to index
      %get3A_43 = tpu.vector_load %arg7[%get3A] {strides = array<i32>} : memref<160xi32, #tpu.memory_space<vmem>>, vector<16xi32>,
      %convert_element_type3A = arith.sitofp %get3A_43 : vector<16xi32> to vector<16xf32>
      %mul3A_44 = arith.constant 16 : i32
      %mul3A_45 = arith.muli %scan3A_39, %mul3A_44 : i32
      %add3A_46 = vector.broadcast %mul3A_45 : i32 to vector<16xi32>
      %add3A_47 = arith.addi %add3A_46, %iota3A : vector<16xi32>
      %mul3A_48 = arith.constant 1.280000e+02 : f32
      %mul3A_49 = vector.broadcast %mul3A_48 : f32 to vector<16xf32>
      %mul3A_50 = arith.mulf %mul3A_49, %convert_element_type3A : vector<16xf32>
      %mul3A_51 = arith.mulf %mul3A_50, %convert_element_type3A : vector<16xf32>
      %mul3A_52 = arith.constant 1.625600e+04 : f32
      %mul3A_53 = vector.broadcast %mul3A_52 : f32 to vector<16xf32>
      %mul3A_54 = arith.mulf %mul3A_53, %convert_element_type3A : vector<16xf32>
      %sub3A = arith.subf %mul3A_51, %mul3A_54 : vector<16xf32>
      %add3A_55 = arith.constant 6.908800e+05 : f32
      %add3A_56 = vector.broadcast %add3A_55 : f32 to vector<16xf32>
      %add3A_57 = arith.addf %sub3A, %add3A_56 : vector<16xf32>
      %div3A = arith.constant 1.270000e+02 : f32
      %div3A_58 = vector.broadcast %div3A : f32 to vector<16xf32>
      %div3A_59 = arith.divf %div3A_58, %add3A_57 : vector<16xf32>
      %broadcast_in_dim3A_60 = arith.constant 0.000000e+00 : f32
      %broadcast_in_dim3A_61 = vector.broadcast %broadcast_in_dim3A_60 : f32 to vector<16xf32>
      %parallel_loop3A = arith.constant 0 : i32
      %parallel_loop3A_62 = arith.constant 128 : i32
      %parallel_loop3A_63 = arith.constant 1 : i32
      %parallel_loop3A_64 = scf.for %parallel_loop3A_124 = %parallel_loop3A to %parallel_loop3A_62 step %parallel_loop3A_63 iter_args(%parallel_loop3A_125 = %broadcast_in_dim3A_61) -> (vector<16xf32>)  : i32 {
        %parallel_loop3A_126 = vector.broadcast %parallel_loop3A_124 : i32 to vector<16xi32>
        %parallel_loop3A_127 = arith.addi %iota3A, %parallel_loop3A_126 : vector<16xi32>
        %parallel_loop3A_128 = arith.constant 127 : i32
        %parallel_loop3A_129 = vector.broadcast %parallel_loop3A_128 : i32 to vector<16xi32>
        %parallel_loop3A_130 = arith.andi %parallel_loop3A_127, %parallel_loop3A_129 : vector<16xi32>
        %parallel_loop3A_131 = tpu.vector_load_idx %arg6[%add3A_47, %parallel_loop3A_130] : memref<160x128xf32, #tpu.memory_space<vmem>>[vector<16xi32>, vector<16xi32>], vector<16xf32>,
        %parallel_loop3A_132 = math.exp %parallel_loop3A_131 : vector<16xf32>
        %parallel_loop3A_133 = arith.index_cast %parallel_loop3A_124 : i32 to index
        %parallel_loop3A_134 = arith.constant 0 : index
        %parallel_loop3A_135 = tpu.vector_load %arg9[%parallel_loop3A_133, %parallel_loop3A_134] {strides = array<i32>} : memref<128x16xf32, #tpu.memory_space<vmem>>, vector<16xf32>,
        tpu.vector_store %arg9[%parallel_loop3A_133, %parallel_loop3A_134], %parallel_loop3A_132 {strides = array<i32>} : memref<128x16xf32, #tpu.memory_space<vmem>>, vector<16xf32>,
        %parallel_loop3A_136 = arith.addf %parallel_loop3A_125, %parallel_loop3A_132 : vector<16xf32>
        scf.yield %parallel_loop3A_136 : vector<16xf32>
      } {sc.loop_unroll_factor = 8 : i64, sc.parallel_access}
      %div3A_65 = arith.constant 1.000000e+00 : f32
      %div3A_66 = vector.broadcast %div3A_65 : f32 to vector<16xf32>
      %div3A_67 = arith.divf %div3A_66, %parallel_loop3A_64 : vector<16xf32>
      %bitcast_convert_type3A = tpu.bitcast %parallel_loop3A_64 : vector<16xf32> -> vector<16xi32>
      %add3A_68 = arith.constant 4913933 : i32
      %add3A_69 = vector.broadcast %add3A_68 : i32 to vector<16xi32>
      %add3A_70 = arith.addi %bitcast_convert_type3A, %add3A_69 : vector<16xi32>
      %shift_right_logical3A = arith.constant 23 : i32
      %shift_right_logical3A_71 = vector.broadcast %shift_right_logical3A : i32 to vector<16xi32>
      %shift_right_logical3A_72 = arith.shrui %add3A_70, %shift_right_logical3A_71 : vector<16xi32>
      %sub3A_73 = arith.constant 127 : i32
      %sub3A_74 = vector.broadcast %sub3A_73 : i32 to vector<16xi32>
      %sub3A_75 = arith.subi %shift_right_logical3A_72, %sub3A_74 : vector<16xi32>
      %convert_element_type3A_76 = arith.sitofp %sub3A_75 : vector<16xi32> to vector<16xf32>
      %sub3A_77 = arith.constant 254 : i32
      %sub3A_78 = vector.broadcast %sub3A_77 : i32 to vector<16xi32>
      %sub3A_79 = arith.subi %sub3A_78, %shift_right_logical3A_72 : vector<16xi32>
      %shift_left3A = arith.constant 23 : i32
      %shift_left3A_80 = vector.broadcast %shift_left3A : i32 to vector<16xi32>
      %shift_left3A_81 = arith.shli %sub3A_79, %shift_left3A_80 : vector<16xi32>
      %bitcast_convert_type3A_82 = tpu.bitcast %shift_left3A_81 : vector<16xi32> -> vector<16xf32>
      %mul3A_83 = arith.mulf %parallel_loop3A_64, %bitcast_convert_type3A_82 : vector<16xf32>
      %sub3A_84 = arith.constant 1.000000e+00 : f32
      %sub3A_85 = vector.broadcast %sub3A_84 : f32 to vector<16xf32>
      %sub3A_86 = arith.subf %mul3A_83, %sub3A_85 : vector<16xf32>
      %mul3A_87 = arith.constant -0.145785362 : f32
      %mul3A_88 = vector.broadcast %mul3A_87 : f32 to vector<16xf32>
      %mul3A_89 = arith.mulf %mul3A_88, %sub3A_86 : vector<16xf32>
      %add3A_90 = arith.constant 0.215558469 : f32
      %add3A_91 = vector.broadcast %add3A_90 : f32 to vector<16xf32>
      %add3A_92 = arith.addf %mul3A_89, %add3A_91 : vector<16xf32>
      %mul3A_93 = arith.mulf %add3A_92, %sub3A_86 : vector<16xf32>
      %add3A_94 = arith.constant -0.252293855 : f32
      %add3A_95 = vector.broadcast %add3A_94 : f32 to vector<16xf32>
      %add3A_96 = arith.addf %mul3A_93, %add3A_95 : vector<16xf32>
      %mul3A_97 = arith.mulf %add3A_96, %sub3A_86 : vector<16xf32>
      %add3A_98 = arith.constant 0.332992703 : f32
      %add3A_99 = vector.broadcast %add3A_98 : f32 to vector<16xf32>
      %add3A_100 = arith.addf %mul3A_97, %add3A_99 : vector<16xf32>
      %mul3A_101 = arith.mulf %add3A_100, %sub3A_86 : vector<16xf32>
      %add3A_102 = arith.constant -0.499978811 : f32
      %add3A_103 = vector.broadcast %add3A_102 : f32 to vector<16xf32>
      %add3A_104 = arith.addf %mul3A_101, %add3A_103 : vector<16xf32>
      %mul3A_105 = arith.mulf %sub3A_86, %sub3A_86 : vector<16xf32>
      %mul3A_106 = arith.mulf %mul3A_105, %add3A_104 : vector<16xf32>
      %add3A_107 = arith.addf %sub3A_86, %mul3A_106 : vector<16xf32>
      %mul3A_108 = arith.constant 0.693147182 : f32
      %mul3A_109 = vector.broadcast %mul3A_108 : f32 to vector<16xf32>
      %mul3A_110 = arith.mulf %convert_element_type3A_76, %mul3A_109 : vector<16xf32>
      %add3A_111 = arith.addf %add3A_107, %mul3A_110 : vector<16xf32>
      %gather3A = tpu.vector_load_idx %arg6[%add3A_47, %get3A_43] : memref<160x128xf32, #tpu.memory_space<vmem>>[vector<16xi32>, vector<16xi32>], vector<16xf32>,
      %gather3A_112 = tpu.vector_load_idx %arg8[%get3A_43] : memref<128xf32, #tpu.memory_space<vmem>>[vector<16xi32>], vector<16xf32>,
      %sub3A_113 = arith.subf %gather3A, %add3A_111 : vector<16xf32>
      %mul3A_114 = arith.mulf %gather3A_112, %sub3A_113 : vector<16xf32>
      %add3A_115 = arith.addf %scan3A_40, %mul3A_114 : vector<16xf32>
      %broadcast_in_dim3A_116 = arith.constant 0.000000e+00 : f32
      %broadcast_in_dim3A_117 = vector.broadcast %broadcast_in_dim3A_116 : f32 to vector<16xf32>
      %parallel_loop3A_118 = arith.constant 0 : i32
      %parallel_loop3A_119 = arith.constant 128 : i32
      %parallel_loop3A_120 = arith.constant 1 : i32
      %parallel_loop3A_121 = scf.for %parallel_loop3A_124 = %parallel_loop3A_118 to %parallel_loop3A_119 step %parallel_loop3A_120 iter_args(%parallel_loop3A_125 = %broadcast_in_dim3A_117) -> (vector<16xf32>)  : i32 {
        %parallel_loop3A_126 = vector.broadcast %parallel_loop3A_124 : i32 to vector<16xi32>
        %parallel_loop3A_127 = arith.addi %iota3A, %parallel_loop3A_126 : vector<16xi32>
        %parallel_loop3A_128 = arith.constant 127 : i32
        %parallel_loop3A_129 = vector.broadcast %parallel_loop3A_128 : i32 to vector<16xi32>
        %parallel_loop3A_130 = arith.andi %parallel_loop3A_127, %parallel_loop3A_129 : vector<16xi32>
        %parallel_loop3A_131 = arith.sitofp %parallel_loop3A_130 : vector<16xi32> to vector<16xf32>
        %parallel_loop3A_132 = arith.index_cast %parallel_loop3A_124 : i32 to index
        %parallel_loop3A_133 = arith.constant 0 : index
        %parallel_loop3A_134 = tpu.vector_load %arg9[%parallel_loop3A_132, %parallel_loop3A_133] {strides = array<i32>} : memref<128x16xf32, #tpu.memory_space<vmem>>, vector<16xf32>,
        %parallel_loop3A_135 = arith.mulf %parallel_loop3A_134, %div3A_67 : vector<16xf32>
        %parallel_loop3A_136 = arith.constant 1.000000e+00 : f32
        %parallel_loop3A_137 = vector.broadcast %parallel_loop3A_136 : f32 to vector<16xf32>
        %parallel_loop3A_138 = arith.subf %parallel_loop3A_137, %parallel_loop3A_135 : vector<16xf32>
        %parallel_loop3A_139 = tpu.bitcast %parallel_loop3A_138 : vector<16xf32> -> vector<16xi32>
        %parallel_loop3A_140 = arith.constant 4913933 : i32
        %parallel_loop3A_141 = vector.broadcast %parallel_loop3A_140 : i32 to vector<16xi32>
        %parallel_loop3A_142 = arith.addi %parallel_loop3A_139, %parallel_loop3A_141 : vector<16xi32>
        %parallel_loop3A_143 = arith.constant 23 : i32
        %parallel_loop3A_144 = vector.broadcast %parallel_loop3A_143 : i32 to vector<16xi32>
        %parallel_loop3A_145 = arith.shrui %parallel_loop3A_142, %parallel_loop3A_144 : vector<16xi32>
        %parallel_loop3A_146 = arith.constant 127 : i32
        %parallel_loop3A_147 = vector.broadcast %parallel_loop3A_146 : i32 to vector<16xi32>
        %parallel_loop3A_148 = arith.subi %parallel_loop3A_145, %parallel_loop3A_147 : vector<16xi32>
        %parallel_loop3A_149 = arith.sitofp %parallel_loop3A_148 : vector<16xi32> to vector<16xf32>
        %parallel_loop3A_150 = arith.constant 254 : i32
        %parallel_loop3A_151 = vector.broadcast %parallel_loop3A_150 : i32 to vector<16xi32>
        %parallel_loop3A_152 = arith.subi %parallel_loop3A_151, %parallel_loop3A_145 : vector<16xi32>
        %parallel_loop3A_153 = arith.constant 23 : i32
        %parallel_loop3A_154 = vector.broadcast %parallel_loop3A_153 : i32 to vector<16xi32>
        %parallel_loop3A_155 = arith.shli %parallel_loop3A_152, %parallel_loop3A_154 : vector<16xi32>
        %parallel_loop3A_156 = tpu.bitcast %parallel_loop3A_155 : vector<16xi32> -> vector<16xf32>
        %parallel_loop3A_157 = arith.mulf %parallel_loop3A_138, %parallel_loop3A_156 : vector<16xf32>
        %parallel_loop3A_158 = arith.constant 1.000000e+00 : f32
        %parallel_loop3A_159 = vector.broadcast %parallel_loop3A_158 : f32 to vector<16xf32>
        %parallel_loop3A_160 = arith.subf %parallel_loop3A_157, %parallel_loop3A_159 : vector<16xf32>
        %parallel_loop3A_161 = arith.constant -0.145785362 : f32
        %parallel_loop3A_162 = vector.broadcast %parallel_loop3A_161 : f32 to vector<16xf32>
        %parallel_loop3A_163 = arith.mulf %parallel_loop3A_162, %parallel_loop3A_160 : vector<16xf32>
        %parallel_loop3A_164 = arith.constant 0.215558469 : f32
        %parallel_loop3A_165 = vector.broadcast %parallel_loop3A_164 : f32 to vector<16xf32>
        %parallel_loop3A_166 = arith.addf %parallel_loop3A_163, %parallel_loop3A_165 : vector<16xf32>
        %parallel_loop3A_167 = arith.mulf %parallel_loop3A_166, %parallel_loop3A_160 : vector<16xf32>
        %parallel_loop3A_168 = arith.constant -0.252293855 : f32
        %parallel_loop3A_169 = vector.broadcast %parallel_loop3A_168 : f32 to vector<16xf32>
        %parallel_loop3A_170 = arith.addf %parallel_loop3A_167, %parallel_loop3A_169 : vector<16xf32>
        %parallel_loop3A_171 = arith.mulf %parallel_loop3A_170, %parallel_loop3A_160 : vector<16xf32>
        %parallel_loop3A_172 = arith.constant 0.332992703 : f32
        %parallel_loop3A_173 = vector.broadcast %parallel_loop3A_172 : f32 to vector<16xf32>
        %parallel_loop3A_174 = arith.addf %parallel_loop3A_171, %parallel_loop3A_173 : vector<16xf32>
        %parallel_loop3A_175 = arith.mulf %parallel_loop3A_174, %parallel_loop3A_160 : vector<16xf32>
        %parallel_loop3A_176 = arith.constant -0.499978811 : f32
        %parallel_loop3A_177 = vector.broadcast %parallel_loop3A_176 : f32 to vector<16xf32>
        %parallel_loop3A_178 = arith.addf %parallel_loop3A_175, %parallel_loop3A_177 : vector<16xf32>
        %parallel_loop3A_179 = arith.mulf %parallel_loop3A_160, %parallel_loop3A_160 : vector<16xf32>
        %parallel_loop3A_180 = arith.mulf %parallel_loop3A_179, %parallel_loop3A_178 : vector<16xf32>
        %parallel_loop3A_181 = arith.addf %parallel_loop3A_160, %parallel_loop3A_180 : vector<16xf32>
        %parallel_loop3A_182 = arith.constant 0.693147182 : f32
        %parallel_loop3A_183 = vector.broadcast %parallel_loop3A_182 : f32 to vector<16xf32>
        %parallel_loop3A_184 = arith.mulf %parallel_loop3A_149, %parallel_loop3A_183 : vector<16xf32>
        %parallel_loop3A_185 = arith.addf %parallel_loop3A_181, %parallel_loop3A_184 : vector<16xf32>
        %parallel_loop3A_186 = tpu.vector_load_idx %arg8[%parallel_loop3A_130] : memref<128xf32, #tpu.memory_space<vmem>>[vector<16xi32>], vector<16xf32>,
        %parallel_loop3A_187 = arith.subf %parallel_loop3A_131, %convert_element_type3A : vector<16xf32>
        %parallel_loop3A_188 = arith.mulf %parallel_loop3A_187, %parallel_loop3A_187 : vector<16xf32>
        %parallel_loop3A_189 = arith.mulf %parallel_loop3A_188, %parallel_loop3A_185 : vector<16xf32>
        %parallel_loop3A_190 = arith.mulf %parallel_loop3A_189, %parallel_loop3A_186 : vector<16xf32>
        %parallel_loop3A_191 = arith.addf %parallel_loop3A_125, %parallel_loop3A_190 : vector<16xf32>
        scf.yield %parallel_loop3A_191 : vector<16xf32>
      } {sc.loop_unroll_factor = 8 : i64, sc.parallel_access}
      %mul3A_122 = arith.mulf %div3A_59, %parallel_loop3A_121 : vector<16xf32>
      %add3A_123 = arith.addf %add3A_115, %mul3A_122 : vector<16xf32>
      scf.yield %add3A_123 : vector<16xf32>
    }
    %scan3A_19 = arith.constant 5 : i32
    %dma_wait3A = arith.constant 80 : i32
    %dma_wait3A_20 = arith.constant 0 : i32
    %dma_wait3A_21 = tpu.memref_slice %arg6[%dma_wait3A, %dma_wait3A_20] : memref<160x128xf32, #tpu.memory_space<vmem>> -> memref<80x128xf32, #tpu.memory_space<vmem>>
    %dma_wait3A_22 = arith.constant 0 : i32
    %dma_wait3A_23 = tpu.memref_slice %arg2[%add3A_4, %dma_wait3A_22] : memref<16384x128xf32, #tpu.memory_space<hbm>> -> memref<80x128xf32, #tpu.memory_space<hbm>>
    %dma_wait3A_24 = arith.constant 80 : i32
    %dma_wait3A_25 = arith.constant 0 : i32
    %dma_wait3A_26 = tpu.memref_slice %arg6[%dma_wait3A_24, %dma_wait3A_25] : memref<160x128xf32, #tpu.memory_space<vmem>> -> memref<80x128xf32, #tpu.memory_space<vmem>>
    %dma_wait3A_27 = arith.constant 0 : i32
    %dma_wait3A_28 = tpu.memref_slice %arg2[%add3A_4, %dma_wait3A_27] : memref<16384x128xf32, #tpu.memory_space<hbm>> -> memref<80x128xf32, #tpu.memory_space<hbm>>
    tpu.wait_dma2 semaphore(%arg11 : memref<!tpu.dma_semaphore, #tpu.memory_space<semaphore_mem>>) src(%dma_wait3A_28 : memref<80x128xf32, #tpu.memory_space<hbm>>) dst(%dma_wait3A_26 : memref<80x128xf32, #tpu.memory_space<vmem>>)
    %scan3A_29 = arith.constant 5 : i32
    %scan3A_30 = arith.constant 5 : i32
    %scan3A_31 = arith.addi %scan3A_29, %scan3A_30 : i32
    %scan3A_32 = arith.constant 1 : i32
    %scan3A_33 = scf.for %scan3A_39 = %scan3A_29 to %scan3A_31 step %scan3A_32 iter_args(%scan3A_40 = %scan3A_18) -> (vector<16xf32>)  : i32 {
      %mul3A_41 = arith.constant 16 : i32
      %mul3A_42 = arith.muli %scan3A_39, %mul3A_41 : i32
      %get3A = arith.index_cast %mul3A_42 : i32 to index
      %get3A_43 = tpu.vector_load %arg7[%get3A] {strides = array<i32>} : memref<160xi32, #tpu.memory_space<vmem>>, vector<16xi32>,
      %convert_element_type3A = arith.sitofp %get3A_43 : vector<16xi32> to vector<16xf32>
      %mul3A_44 = arith.constant 16 : i32
      %mul3A_45 = arith.muli %scan3A_39, %mul3A_44 : i32
      %add3A_46 = vector.broadcast %mul3A_45 : i32 to vector<16xi32>
      %add3A_47 = arith.addi %add3A_46, %iota3A : vector<16xi32>
      %mul3A_48 = arith.constant 1.280000e+02 : f32
      %mul3A_49 = vector.broadcast %mul3A_48 : f32 to vector<16xf32>
      %mul3A_50 = arith.mulf %mul3A_49, %convert_element_type3A : vector<16xf32>
      %mul3A_51 = arith.mulf %mul3A_50, %convert_element_type3A : vector<16xf32>
      %mul3A_52 = arith.constant 1.625600e+04 : f32
      %mul3A_53 = vector.broadcast %mul3A_52 : f32 to vector<16xf32>
      %mul3A_54 = arith.mulf %mul3A_53, %convert_element_type3A : vector<16xf32>
      %sub3A = arith.subf %mul3A_51, %mul3A_54 : vector<16xf32>
      %add3A_55 = arith.constant 6.908800e+05 : f32
      %add3A_56 = vector.broadcast %add3A_55 : f32 to vector<16xf32>
      %add3A_57 = arith.addf %sub3A, %add3A_56 : vector<16xf32>
      %div3A = arith.constant 1.270000e+02 : f32
      %div3A_58 = vector.broadcast %div3A : f32 to vector<16xf32>
      %div3A_59 = arith.divf %div3A_58, %add3A_57 : vector<16xf32>
      %broadcast_in_dim3A_60 = arith.constant 0.000000e+00 : f32
      %broadcast_in_dim3A_61 = vector.broadcast %broadcast_in_dim3A_60 : f32 to vector<16xf32>
      %parallel_loop3A = arith.constant 0 : i32
      %parallel_loop3A_62 = arith.constant 128 : i32
      %parallel_loop3A_63 = arith.constant 1 : i32
      %parallel_loop3A_64 = scf.for %parallel_loop3A_124 = %parallel_loop3A to %parallel_loop3A_62 step %parallel_loop3A_63 iter_args(%parallel_loop3A_125 = %broadcast_in_dim3A_61) -> (vector<16xf32>)  : i32 {
        %parallel_loop3A_126 = vector.broadcast %parallel_loop3A_124 : i32 to vector<16xi32>
        %parallel_loop3A_127 = arith.addi %iota3A, %parallel_loop3A_126 : vector<16xi32>
        %parallel_loop3A_128 = arith.constant 127 : i32
        %parallel_loop3A_129 = vector.broadcast %parallel_loop3A_128 : i32 to vector<16xi32>
        %parallel_loop3A_130 = arith.andi %parallel_loop3A_127, %parallel_loop3A_129 : vector<16xi32>
        %parallel_loop3A_131 = tpu.vector_load_idx %arg6[%add3A_47, %parallel_loop3A_130] : memref<160x128xf32, #tpu.memory_space<vmem>>[vector<16xi32>, vector<16xi32>], vector<16xf32>,
        %parallel_loop3A_132 = math.exp %parallel_loop3A_131 : vector<16xf32>
        %parallel_loop3A_133 = arith.index_cast %parallel_loop3A_124 : i32 to index
        %parallel_loop3A_134 = arith.constant 0 : index
        %parallel_loop3A_135 = tpu.vector_load %arg9[%parallel_loop3A_133, %parallel_loop3A_134] {strides = array<i32>} : memref<128x16xf32, #tpu.memory_space<vmem>>, vector<16xf32>,
        tpu.vector_store %arg9[%parallel_loop3A_133, %parallel_loop3A_134], %parallel_loop3A_132 {strides = array<i32>} : memref<128x16xf32, #tpu.memory_space<vmem>>, vector<16xf32>,
        %parallel_loop3A_136 = arith.addf %parallel_loop3A_125, %parallel_loop3A_132 : vector<16xf32>
        scf.yield %parallel_loop3A_136 : vector<16xf32>
      } {sc.loop_unroll_factor = 8 : i64, sc.parallel_access}
      %div3A_65 = arith.constant 1.000000e+00 : f32
      %div3A_66 = vector.broadcast %div3A_65 : f32 to vector<16xf32>
      %div3A_67 = arith.divf %div3A_66, %parallel_loop3A_64 : vector<16xf32>
      %bitcast_convert_type3A = tpu.bitcast %parallel_loop3A_64 : vector<16xf32> -> vector<16xi32>
      %add3A_68 = arith.constant 4913933 : i32
      %add3A_69 = vector.broadcast %add3A_68 : i32 to vector<16xi32>
      %add3A_70 = arith.addi %bitcast_convert_type3A, %add3A_69 : vector<16xi32>
      %shift_right_logical3A = arith.constant 23 : i32
      %shift_right_logical3A_71 = vector.broadcast %shift_right_logical3A : i32 to vector<16xi32>
      %shift_right_logical3A_72 = arith.shrui %add3A_70, %shift_right_logical3A_71 : vector<16xi32>
      %sub3A_73 = arith.constant 127 : i32
      %sub3A_74 = vector.broadcast %sub3A_73 : i32 to vector<16xi32>
      %sub3A_75 = arith.subi %shift_right_logical3A_72, %sub3A_74 : vector<16xi32>
      %convert_element_type3A_76 = arith.sitofp %sub3A_75 : vector<16xi32> to vector<16xf32>
      %sub3A_77 = arith.constant 254 : i32
      %sub3A_78 = vector.broadcast %sub3A_77 : i32 to vector<16xi32>
      %sub3A_79 = arith.subi %sub3A_78, %shift_right_logical3A_72 : vector<16xi32>
      %shift_left3A = arith.constant 23 : i32
      %shift_left3A_80 = vector.broadcast %shift_left3A : i32 to vector<16xi32>
      %shift_left3A_81 = arith.shli %sub3A_79, %shift_left3A_80 : vector<16xi32>
      %bitcast_convert_type3A_82 = tpu.bitcast %shift_left3A_81 : vector<16xi32> -> vector<16xf32>
      %mul3A_83 = arith.mulf %parallel_loop3A_64, %bitcast_convert_type3A_82 : vector<16xf32>
      %sub3A_84 = arith.constant 1.000000e+00 : f32
      %sub3A_85 = vector.broadcast %sub3A_84 : f32 to vector<16xf32>
      %sub3A_86 = arith.subf %mul3A_83, %sub3A_85 : vector<16xf32>
      %mul3A_87 = arith.constant -0.145785362 : f32
      %mul3A_88 = vector.broadcast %mul3A_87 : f32 to vector<16xf32>
      %mul3A_89 = arith.mulf %mul3A_88, %sub3A_86 : vector<16xf32>
      %add3A_90 = arith.constant 0.215558469 : f32
      %add3A_91 = vector.broadcast %add3A_90 : f32 to vector<16xf32>
      %add3A_92 = arith.addf %mul3A_89, %add3A_91 : vector<16xf32>
      %mul3A_93 = arith.mulf %add3A_92, %sub3A_86 : vector<16xf32>
      %add3A_94 = arith.constant -0.252293855 : f32
      %add3A_95 = vector.broadcast %add3A_94 : f32 to vector<16xf32>
      %add3A_96 = arith.addf %mul3A_93, %add3A_95 : vector<16xf32>
      %mul3A_97 = arith.mulf %add3A_96, %sub3A_86 : vector<16xf32>
      %add3A_98 = arith.constant 0.332992703 : f32
      %add3A_99 = vector.broadcast %add3A_98 : f32 to vector<16xf32>
      %add3A_100 = arith.addf %mul3A_97, %add3A_99 : vector<16xf32>
      %mul3A_101 = arith.mulf %add3A_100, %sub3A_86 : vector<16xf32>
      %add3A_102 = arith.constant -0.499978811 : f32
      %add3A_103 = vector.broadcast %add3A_102 : f32 to vector<16xf32>
      %add3A_104 = arith.addf %mul3A_101, %add3A_103 : vector<16xf32>
      %mul3A_105 = arith.mulf %sub3A_86, %sub3A_86 : vector<16xf32>
      %mul3A_106 = arith.mulf %mul3A_105, %add3A_104 : vector<16xf32>
      %add3A_107 = arith.addf %sub3A_86, %mul3A_106 : vector<16xf32>
      %mul3A_108 = arith.constant 0.693147182 : f32
      %mul3A_109 = vector.broadcast %mul3A_108 : f32 to vector<16xf32>
      %mul3A_110 = arith.mulf %convert_element_type3A_76, %mul3A_109 : vector<16xf32>
      %add3A_111 = arith.addf %add3A_107, %mul3A_110 : vector<16xf32>
      %gather3A = tpu.vector_load_idx %arg6[%add3A_47, %get3A_43] : memref<160x128xf32, #tpu.memory_space<vmem>>[vector<16xi32>, vector<16xi32>], vector<16xf32>,
      %gather3A_112 = tpu.vector_load_idx %arg8[%get3A_43] : memref<128xf32, #tpu.memory_space<vmem>>[vector<16xi32>], vector<16xf32>,
      %sub3A_113 = arith.subf %gather3A, %add3A_111 : vector<16xf32>
      %mul3A_114 = arith.mulf %gather3A_112, %sub3A_113 : vector<16xf32>
      %add3A_115 = arith.addf %scan3A_40, %mul3A_114 : vector<16xf32>
      %broadcast_in_dim3A_116 = arith.constant 0.000000e+00 : f32
      %broadcast_in_dim3A_117 = vector.broadcast %broadcast_in_dim3A_116 : f32 to vector<16xf32>
      %parallel_loop3A_118 = arith.constant 0 : i32
      %parallel_loop3A_119 = arith.constant 128 : i32
      %parallel_loop3A_120 = arith.constant 1 : i32
      %parallel_loop3A_121 = scf.for %parallel_loop3A_124 = %parallel_loop3A_118 to %parallel_loop3A_119 step %parallel_loop3A_120 iter_args(%parallel_loop3A_125 = %broadcast_in_dim3A_117) -> (vector<16xf32>)  : i32 {
        %parallel_loop3A_126 = vector.broadcast %parallel_loop3A_124 : i32 to vector<16xi32>
        %parallel_loop3A_127 = arith.addi %iota3A, %parallel_loop3A_126 : vector<16xi32>
        %parallel_loop3A_128 = arith.constant 127 : i32
        %parallel_loop3A_129 = vector.broadcast %parallel_loop3A_128 : i32 to vector<16xi32>
        %parallel_loop3A_130 = arith.andi %parallel_loop3A_127, %parallel_loop3A_129 : vector<16xi32>
        %parallel_loop3A_131 = arith.sitofp %parallel_loop3A_130 : vector<16xi32> to vector<16xf32>
        %parallel_loop3A_132 = arith.index_cast %parallel_loop3A_124 : i32 to index
        %parallel_loop3A_133 = arith.constant 0 : index
        %parallel_loop3A_134 = tpu.vector_load %arg9[%parallel_loop3A_132, %parallel_loop3A_133] {strides = array<i32>} : memref<128x16xf32, #tpu.memory_space<vmem>>, vector<16xf32>,
        %parallel_loop3A_135 = arith.mulf %parallel_loop3A_134, %div3A_67 : vector<16xf32>
        %parallel_loop3A_136 = arith.constant 1.000000e+00 : f32
        %parallel_loop3A_137 = vector.broadcast %parallel_loop3A_136 : f32 to vector<16xf32>
        %parallel_loop3A_138 = arith.subf %parallel_loop3A_137, %parallel_loop3A_135 : vector<16xf32>
        %parallel_loop3A_139 = tpu.bitcast %parallel_loop3A_138 : vector<16xf32> -> vector<16xi32>
        %parallel_loop3A_140 = arith.constant 4913933 : i32
        %parallel_loop3A_141 = vector.broadcast %parallel_loop3A_140 : i32 to vector<16xi32>
        %parallel_loop3A_142 = arith.addi %parallel_loop3A_139, %parallel_loop3A_141 : vector<16xi32>
        %parallel_loop3A_143 = arith.constant 23 : i32
        %parallel_loop3A_144 = vector.broadcast %parallel_loop3A_143 : i32 to vector<16xi32>
        %parallel_loop3A_145 = arith.shrui %parallel_loop3A_142, %parallel_loop3A_144 : vector<16xi32>
        %parallel_loop3A_146 = arith.constant 127 : i32
        %parallel_loop3A_147 = vector.broadcast %parallel_loop3A_146 : i32 to vector<16xi32>
        %parallel_loop3A_148 = arith.subi %parallel_loop3A_145, %parallel_loop3A_147 : vector<16xi32>
        %parallel_loop3A_149 = arith.sitofp %parallel_loop3A_148 : vector<16xi32> to vector<16xf32>
        %parallel_loop3A_150 = arith.constant 254 : i32
        %parallel_loop3A_151 = vector.broadcast %parallel_loop3A_150 : i32 to vector<16xi32>
        %parallel_loop3A_152 = arith.subi %parallel_loop3A_151, %parallel_loop3A_145 : vector<16xi32>
        %parallel_loop3A_153 = arith.constant 23 : i32
        %parallel_loop3A_154 = vector.broadcast %parallel_loop3A_153 : i32 to vector<16xi32>
        %parallel_loop3A_155 = arith.shli %parallel_loop3A_152, %parallel_loop3A_154 : vector<16xi32>
        %parallel_loop3A_156 = tpu.bitcast %parallel_loop3A_155 : vector<16xi32> -> vector<16xf32>
        %parallel_loop3A_157 = arith.mulf %parallel_loop3A_138, %parallel_loop3A_156 : vector<16xf32>
        %parallel_loop3A_158 = arith.constant 1.000000e+00 : f32
        %parallel_loop3A_159 = vector.broadcast %parallel_loop3A_158 : f32 to vector<16xf32>
        %parallel_loop3A_160 = arith.subf %parallel_loop3A_157, %parallel_loop3A_159 : vector<16xf32>
        %parallel_loop3A_161 = arith.constant -0.145785362 : f32
        %parallel_loop3A_162 = vector.broadcast %parallel_loop3A_161 : f32 to vector<16xf32>
        %parallel_loop3A_163 = arith.mulf %parallel_loop3A_162, %parallel_loop3A_160 : vector<16xf32>
        %parallel_loop3A_164 = arith.constant 0.215558469 : f32
        %parallel_loop3A_165 = vector.broadcast %parallel_loop3A_164 : f32 to vector<16xf32>
        %parallel_loop3A_166 = arith.addf %parallel_loop3A_163, %parallel_loop3A_165 : vector<16xf32>
        %parallel_loop3A_167 = arith.mulf %parallel_loop3A_166, %parallel_loop3A_160 : vector<16xf32>
        %parallel_loop3A_168 = arith.constant -0.252293855 : f32
        %parallel_loop3A_169 = vector.broadcast %parallel_loop3A_168 : f32 to vector<16xf32>
        %parallel_loop3A_170 = arith.addf %parallel_loop3A_167, %parallel_loop3A_169 : vector<16xf32>
        %parallel_loop3A_171 = arith.mulf %parallel_loop3A_170, %parallel_loop3A_160 : vector<16xf32>
        %parallel_loop3A_172 = arith.constant 0.332992703 : f32
        %parallel_loop3A_173 = vector.broadcast %parallel_loop3A_172 : f32 to vector<16xf32>
        %parallel_loop3A_174 = arith.addf %parallel_loop3A_171, %parallel_loop3A_173 : vector<16xf32>
        %parallel_loop3A_175 = arith.mulf %parallel_loop3A_174, %parallel_loop3A_160 : vector<16xf32>
        %parallel_loop3A_176 = arith.constant -0.499978811 : f32
        %parallel_loop3A_177 = vector.broadcast %parallel_loop3A_176 : f32 to vector<16xf32>
        %parallel_loop3A_178 = arith.addf %parallel_loop3A_175, %parallel_loop3A_177 : vector<16xf32>
        %parallel_loop3A_179 = arith.mulf %parallel_loop3A_160, %parallel_loop3A_160 : vector<16xf32>
        %parallel_loop3A_180 = arith.mulf %parallel_loop3A_179, %parallel_loop3A_178 : vector<16xf32>
        %parallel_loop3A_181 = arith.addf %parallel_loop3A_160, %parallel_loop3A_180 : vector<16xf32>
        %parallel_loop3A_182 = arith.constant 0.693147182 : f32
        %parallel_loop3A_183 = vector.broadcast %parallel_loop3A_182 : f32 to vector<16xf32>
        %parallel_loop3A_184 = arith.mulf %parallel_loop3A_149, %parallel_loop3A_183 : vector<16xf32>
        %parallel_loop3A_185 = arith.addf %parallel_loop3A_181, %parallel_loop3A_184 : vector<16xf32>
        %parallel_loop3A_186 = tpu.vector_load_idx %arg8[%parallel_loop3A_130] : memref<128xf32, #tpu.memory_space<vmem>>[vector<16xi32>], vector<16xf32>,
        %parallel_loop3A_187 = arith.subf %parallel_loop3A_131, %convert_element_type3A : vector<16xf32>
        %parallel_loop3A_188 = arith.mulf %parallel_loop3A_187, %parallel_loop3A_187 : vector<16xf32>
        %parallel_loop3A_189 = arith.mulf %parallel_loop3A_188, %parallel_loop3A_185 : vector<16xf32>
        %parallel_loop3A_190 = arith.mulf %parallel_loop3A_189, %parallel_loop3A_186 : vector<16xf32>
        %parallel_loop3A_191 = arith.addf %parallel_loop3A_125, %parallel_loop3A_190 : vector<16xf32>
        scf.yield %parallel_loop3A_191 : vector<16xf32>
      } {sc.loop_unroll_factor = 8 : i64, sc.parallel_access}
      %mul3A_122 = arith.mulf %div3A_59, %parallel_loop3A_121 : vector<16xf32>
      %add3A_123 = arith.addf %add3A_115, %mul3A_122 : vector<16xf32>
      scf.yield %add3A_123 : vector<16xf32>
    }
    %scan3A_34 = arith.constant 5 : i32
    %mul3A_35 = arith.constant -1.000000e-03 : f32
    %mul3A_36 = vector.broadcast %mul3A_35 : f32 to vector<16xf32>
    %mul3A_37 = arith.mulf %scan3A_33, %mul3A_36 : vector<16xf32>
    %swap3A = arith.constant 0 : index
    %swap3A_38 = tpu.vector_load %arg10[%swap3A] {strides = array<i32>} : memref<16xf32, #tpu.memory_space<vmem>>, vector<16xf32>,
    tpu.vector_store %arg10[%swap3A], %mul3A_37 {strides = array<i32>} : memref<16xf32, #tpu.memory_space<vmem>>, vector<16xf32>,
    "tpu.region"() ({
      %run_scoped3A = tpu.sem_alloc : memref<!tpu.dma_semaphore, #tpu.memory_space<semaphore_mem>>
      %dma_start3A_39 = arith.constant 0 : i32
      %dma_start3A_40 = tpu.memref_slice %arg5[%add3A, %dma_start3A_39] : memref<32x16xf32, #tpu.memory_space<hbm>> -> memref<1x16xf32, #tpu.memory_space<hbm>>
      %dma_start3A_41 = tpu.memref_squeeze %dma_start3A_40 : memref<1x16xf32, #tpu.memory_space<hbm>> -> memref<16xf32, #tpu.memory_space<hbm>>
      %dma_start3A_42 = arith.constant 0 : i32
      %dma_start3A_43 = tpu.memref_slice %arg5[%add3A, %dma_start3A_42] : memref<32x16xf32, #tpu.memory_space<hbm>> -> memref<1x16xf32, #tpu.memory_space<hbm>>
      %dma_start3A_44 = tpu.memref_squeeze %dma_start3A_43 : memref<1x16xf32, #tpu.memory_space<hbm>> -> memref<16xf32, #tpu.memory_space<hbm>>
      tpu.enqueue_dma source(%arg10 : memref<16xf32, #tpu.memory_space<vmem>>) target(%dma_start3A_44 : memref<16xf32, #tpu.memory_space<hbm>>) target_semaphore(%run_scoped3A : memref<!tpu.dma_semaphore, #tpu.memory_space<semaphore_mem>>)
      %dma_wait3A_45 = arith.constant 0 : i32
      %dma_wait3A_46 = tpu.memref_slice %arg5[%add3A, %dma_wait3A_45] : memref<32x16xf32, #tpu.memory_space<hbm>> -> memref<1x16xf32, #tpu.memory_space<hbm>>
      %dma_wait3A_47 = tpu.memref_squeeze %dma_wait3A_46 : memref<1x16xf32, #tpu.memory_space<hbm>> -> memref<16xf32, #tpu.memory_space<hbm>>
      %dma_wait3A_48 = arith.constant 0 : i32
      %dma_wait3A_49 = tpu.memref_slice %arg5[%add3A, %dma_wait3A_48] : memref<32x16xf32, #tpu.memory_space<hbm>> -> memref<1x16xf32, #tpu.memory_space<hbm>>
      %dma_wait3A_50 = tpu.memref_squeeze %dma_wait3A_49 : memref<1x16xf32, #tpu.memory_space<hbm>> -> memref<16xf32, #tpu.memory_space<hbm>>
      tpu.wait_dma2 semaphore(%run_scoped3A : memref<!tpu.dma_semaphore, #tpu.memory_space<semaphore_mem>>) src(%arg10 : memref<16xf32, #tpu.memory_space<vmem>>) dst(%dma_wait3A_50 : memref<16xf32, #tpu.memory_space<hbm>>)
      tpu.yield
    }) : () -> ()
    return
  }
}

module attributes {stable_mosaic.version = 14 : i64} {
  func.func @_tc_loss_body(%arg0: i32, %arg1: memref<512x128xf32, #tpu.memory_space<vmem>>, %arg2: memref<1x1x512xi32, #tpu.memory_space<vmem>>, %arg3: memref<1x128xf32, #tpu.memory_space<vmem>>, %arg4: memref<1x1xf32, #tpu.memory_space<vmem>>) attributes {dimension_semantics = [#tpu.dimension_semantics<arbitrary>], iteration_bounds = array<i64: 22>, scalar_prefetch = 0 : i64, scratch_operands = 0 : i64, tpu.core_type = #tpu.core_type<tc>, window_params = [{transform_indices = @transform_0, window_bounds = array<i64: 512, 128>}, {transform_indices = @transform_1, window_bounds = array<i64: 1, 1, 512>}, {pipeline_mode = #tpu.pipeline_mode<synchronous>, transform_indices = @transform_2, window_bounds = array<i64: 1, 128>}, {pipeline_mode = #tpu.pipeline_mode<synchronous>, transform_indices = @transform_3, window_bounds = array<i64: 1, 1>}]} {
    %get3A = arith.constant 0 : index
    %get3A_0 = arith.constant 0 : index
    %get3A_1 = vector.load %arg1[%get3A, %get3A_0] : memref<512x128xf32, #tpu.memory_space<vmem>>, vector<512x128xf32>
    %exp3A = math.exp %get3A_1 : vector<512x128xf32>
    %reduce_sum3A = arith.constant dense<0.000000e+00> : vector<512xf32>
    %reduce_sum3A_2 = vector.multi_reduction <add>, %exp3A, %reduce_sum3A [1] : vector<512x128xf32> to vector<512xf32>
    %broadcast_in_dim3A = vector.shape_cast %reduce_sum3A_2 : vector<512xf32> to vector<512x1xf32>
    %div3A = vector.broadcast %broadcast_in_dim3A : vector<512x1xf32> to vector<512x128xf32>
    %div3A_3 = arith.divf %exp3A, %div3A : vector<512x128xf32>
    %log3A = math.log %broadcast_in_dim3A : vector<512x1xf32>
    %sub3A = vector.broadcast %log3A : vector<512x1xf32> to vector<512x128xf32>
    %sub3A_4 = arith.subf %get3A_1, %sub3A : vector<512x128xf32>
    %get3A_5 = arith.constant 0 : index
    %get3A_6 = arith.constant 0 : index
    %get3A_7 = arith.constant 0 : index
    %get3A_8 = vector.load %arg2[%get3A_5, %get3A_6, %get3A_7] : memref<1x1x512xi32, #tpu.memory_space<vmem>>, vector<1x1x512xi32>
    %get3A_9 = vector.shape_cast %get3A_8 : vector<1x1x512xi32> to vector<512xi32>
    %convert_element_type3A = arith.sitofp %get3A_9 : vector<512xi32> to vector<512xf32>
    %broadcast_in_dim3A_10 = vector.shape_cast %convert_element_type3A : vector<512xf32> to vector<512x1xf32>
    %iota3A = tpu.iota {dimensions = array<i32: 1>} : vector<512x128xi32>
    %convert_element_type3A_11 = arith.sitofp %iota3A : vector<512x128xi32> to vector<512x128xf32>
    %mul3A = arith.constant 1.280000e+02 : f32
    %mul3A_12 = vector.broadcast %mul3A : f32 to vector<512x1xf32>
    %mul3A_13 = arith.mulf %mul3A_12, %broadcast_in_dim3A_10 : vector<512x1xf32>
    %mul3A_14 = arith.mulf %mul3A_13, %broadcast_in_dim3A_10 : vector<512x1xf32>
    %mul3A_15 = arith.constant 1.625600e+04 : f32
    %mul3A_16 = vector.broadcast %mul3A_15 : f32 to vector<512x1xf32>
    %mul3A_17 = arith.mulf %mul3A_16, %broadcast_in_dim3A_10 : vector<512x1xf32>
    %sub3A_18 = arith.subf %mul3A_14, %mul3A_17 : vector<512x1xf32>
    %add3A = arith.constant 6.908800e+05 : f32
    %add3A_19 = vector.broadcast %add3A : f32 to vector<512x1xf32>
    %add3A_20 = arith.addf %sub3A_18, %add3A_19 : vector<512x1xf32>
    %div3A_21 = arith.constant 1.270000e+02 : f32
    %div3A_22 = vector.broadcast %div3A_21 : f32 to vector<512x1xf32>
    %div3A_23 = arith.divf %div3A_22, %add3A_20 : vector<512x1xf32>
    %get3A_24 = arith.constant 0 : index
    %get3A_25 = arith.constant 0 : index
    %get3A_26 = vector.load %arg3[%get3A_24, %get3A_25] : memref<1x128xf32, #tpu.memory_space<vmem>>, vector<1x128xf32>
    %get3A_27 = vector.shape_cast %get3A_26 : vector<1x128xf32> to vector<128xf32>
    %broadcast_in_dim3A_28 = vector.shape_cast %get3A_27 : vector<128xf32> to vector<1x128xf32>
    %sub3A_29 = vector.broadcast %broadcast_in_dim3A_10 : vector<512x1xf32> to vector<512x128xf32>
    %sub3A_30 = arith.subf %convert_element_type3A_11, %sub3A_29 : vector<512x128xf32>
    %sub3A_31 = vector.broadcast %broadcast_in_dim3A_10 : vector<512x1xf32> to vector<512x128xf32>
    %sub3A_32 = arith.subf %convert_element_type3A_11, %sub3A_31 : vector<512x128xf32>
    %mul3A_33 = arith.mulf %sub3A_30, %sub3A_32 : vector<512x128xf32>
    %eq3A = vector.broadcast %broadcast_in_dim3A_10 : vector<512x1xf32> to vector<512x128xf32>
    %eq3A_34 = arith.cmpf oeq, %convert_element_type3A_11, %eq3A : vector<512x128xf32>
    %mul3A_35 = vector.broadcast %broadcast_in_dim3A_28 : vector<1x128xf32> to vector<512x128xf32>
    %mul3A_36 = arith.mulf %mul3A_35, %sub3A_4 : vector<512x128xf32>
    %mul3A_37 = vector.broadcast %broadcast_in_dim3A_28 : vector<1x128xf32> to vector<512x128xf32>
    %mul3A_38 = vector.broadcast %div3A_23 : vector<512x1xf32> to vector<512x128xf32>
    %mul3A_39 = arith.mulf %mul3A_37, %mul3A_38 : vector<512x128xf32>
    %mul3A_40 = arith.mulf %mul3A_39, %mul3A_33 : vector<512x128xf32>
    %sub3A_41 = arith.constant 1.000000e+00 : f32
    %sub3A_42 = vector.broadcast %sub3A_41 : f32 to vector<512x128xf32>
    %sub3A_43 = arith.subf %sub3A_42, %div3A_3 : vector<512x128xf32>
    %bitcast_convert_type3A = tpu.bitcast %sub3A_43 : vector<512x128xf32> -> vector<512x128xi32>
    %add3A_44 = arith.constant 4913933 : i32
    %add3A_45 = vector.broadcast %add3A_44 : i32 to vector<512x128xi32>
    %add3A_46 = arith.addi %bitcast_convert_type3A, %add3A_45 : vector<512x128xi32>
    %shift_right_logical3A = arith.constant 23 : i32
    %shift_right_logical3A_47 = vector.broadcast %shift_right_logical3A : i32 to vector<512x128xi32>
    %shift_right_logical3A_48 = arith.shrui %add3A_46, %shift_right_logical3A_47 : vector<512x128xi32>
    %sub3A_49 = arith.constant 127 : i32
    %sub3A_50 = vector.broadcast %sub3A_49 : i32 to vector<512x128xi32>
    %sub3A_51 = arith.subi %shift_right_logical3A_48, %sub3A_50 : vector<512x128xi32>
    %convert_element_type3A_52 = arith.sitofp %sub3A_51 : vector<512x128xi32> to vector<512x128xf32>
    %sub3A_53 = arith.constant 254 : i32
    %sub3A_54 = vector.broadcast %sub3A_53 : i32 to vector<512x128xi32>
    %sub3A_55 = arith.subi %sub3A_54, %shift_right_logical3A_48 : vector<512x128xi32>
    %shift_left3A = arith.constant 23 : i32
    %shift_left3A_56 = vector.broadcast %shift_left3A : i32 to vector<512x128xi32>
    %shift_left3A_57 = arith.shli %sub3A_55, %shift_left3A_56 : vector<512x128xi32>
    %bitcast_convert_type3A_58 = tpu.bitcast %shift_left3A_57 : vector<512x128xi32> -> vector<512x128xf32>
    %mul3A_59 = arith.mulf %sub3A_43, %bitcast_convert_type3A_58 : vector<512x128xf32>
    %sub3A_60 = arith.constant 1.000000e+00 : f32
    %sub3A_61 = vector.broadcast %sub3A_60 : f32 to vector<512x128xf32>
    %sub3A_62 = arith.subf %mul3A_59, %sub3A_61 : vector<512x128xf32>
    %mul3A_63 = arith.constant -0.145785362 : f32
    %mul3A_64 = vector.broadcast %mul3A_63 : f32 to vector<512x128xf32>
    %mul3A_65 = arith.mulf %mul3A_64, %sub3A_62 : vector<512x128xf32>
    %add3A_66 = arith.constant 0.215558469 : f32
    %add3A_67 = vector.broadcast %add3A_66 : f32 to vector<512x128xf32>
    %add3A_68 = arith.addf %mul3A_65, %add3A_67 : vector<512x128xf32>
    %mul3A_69 = arith.mulf %add3A_68, %sub3A_62 : vector<512x128xf32>
    %add3A_70 = arith.constant -0.252293855 : f32
    %add3A_71 = vector.broadcast %add3A_70 : f32 to vector<512x128xf32>
    %add3A_72 = arith.addf %mul3A_69, %add3A_71 : vector<512x128xf32>
    %mul3A_73 = arith.mulf %add3A_72, %sub3A_62 : vector<512x128xf32>
    %add3A_74 = arith.constant 0.332992703 : f32
    %add3A_75 = vector.broadcast %add3A_74 : f32 to vector<512x128xf32>
    %add3A_76 = arith.addf %mul3A_73, %add3A_75 : vector<512x128xf32>
    %mul3A_77 = arith.mulf %add3A_76, %sub3A_62 : vector<512x128xf32>
    %add3A_78 = arith.constant -0.499978811 : f32
    %add3A_79 = vector.broadcast %add3A_78 : f32 to vector<512x128xf32>
    %add3A_80 = arith.addf %mul3A_77, %add3A_79 : vector<512x128xf32>
    %mul3A_81 = arith.mulf %sub3A_62, %sub3A_62 : vector<512x128xf32>
    %mul3A_82 = arith.mulf %mul3A_81, %add3A_80 : vector<512x128xf32>
    %add3A_83 = arith.addf %sub3A_62, %mul3A_82 : vector<512x128xf32>
    %mul3A_84 = arith.constant 0.693147182 : f32
    %mul3A_85 = vector.broadcast %mul3A_84 : f32 to vector<512x128xf32>
    %mul3A_86 = arith.mulf %convert_element_type3A_52, %mul3A_85 : vector<512x128xf32>
    %add3A_87 = arith.addf %add3A_83, %mul3A_86 : vector<512x128xf32>
    %mul3A_88 = arith.mulf %mul3A_40, %add3A_87 : vector<512x128xf32>
    %select_n3A = arith.select %eq3A_34, %mul3A_36, %mul3A_88 : vector<512x128xi1>, vector<512x128xf32>
    %reduce_sum3A_89 = vector.shape_cast %select_n3A : vector<512x128xf32> to vector<1x512x128xf32>
    %reduce_sum3A_90 = arith.constant dense<0.000000e+00> : vector<1xf32>
    %reduce_sum3A_91 = vector.multi_reduction <add>, %reduce_sum3A_89, %reduce_sum3A_90 [1, 2] : vector<1x512x128xf32> to vector<1xf32>
    %reduce_sum3A_92 = vector.shape_cast %reduce_sum3A_91 : vector<1xf32> to vector<1x1x1xf32>
    %reduce_sum3A_93 = vector.extract %reduce_sum3A_92[0, 0, 0] : f32 from vector<1x1x1xf32>
    %broadcast_in_dim3A_94 = vector.broadcast %reduce_sum3A_93 : f32 to vector<1x1xf32>
    %eq3A_95 = arith.constant 0 : i32
    %eq3A_96 = arith.cmpi eq, %arg0, %eq3A_95 : i32
    %convert_element_type3A_97 = arith.extui %eq3A_96 : i1 to i32
    %cond3A = arith.constant 0 : i32
    %cond3A_98 = arith.cmpi ne, %convert_element_type3A_97, %cond3A : i32
    scf.if %cond3A_98 {
      %broadcast_in_dim3A_105 = arith.constant 0.000000e+00 : f32
      %broadcast_in_dim3A_106 = vector.broadcast %broadcast_in_dim3A_105 : f32 to vector<1x1xf32>
      %swap3A_107 = arith.constant 0 : index
      %swap3A_108 = arith.constant 0 : index
      %swap3A_109 = vector.load %arg4[%swap3A_107, %swap3A_108] : memref<1x1xf32, #tpu.memory_space<vmem>>, vector<1x1xf32>
      tpu.vector_store %arg4[%swap3A_107, %swap3A_108], %broadcast_in_dim3A_106 {strides = array<i32>} : memref<1x1xf32, #tpu.memory_space<vmem>>, vector<1x1xf32>,
    } else {
    }
    %get3A_99 = arith.constant 0 : index
    %get3A_100 = arith.constant 0 : index
    %get3A_101 = vector.load %arg4[%get3A_99, %get3A_100] : memref<1x1xf32, #tpu.memory_space<vmem>>, vector<1x1xf32>
    %add3A_102 = arith.addf %get3A_101, %broadcast_in_dim3A_94 : vector<1x1xf32>
    %swap3A = arith.constant 0 : index
    %swap3A_103 = arith.constant 0 : index
    %swap3A_104 = vector.load %arg4[%swap3A, %swap3A_103] : memref<1x1xf32, #tpu.memory_space<vmem>>, vector<1x1xf32>
    tpu.vector_store %arg4[%swap3A, %swap3A_103], %add3A_102 {strides = array<i32>} : memref<1x1xf32, #tpu.memory_space<vmem>>, vector<1x1xf32>,
    return
  }
  func.func @transform_0(%arg0: i32) -> (i32, i32) {
    %add3A = arith.constant 10 : i32
    %add3A_0 = arith.addi %add3A, %arg0 : i32
    %c0_i32 = arith.constant 0 : i32
    %c0_i32_1 = arith.constant 0 : i32
    return %add3A_0, %c0_i32 : i32, i32
  }
  func.func @transform_1(%arg0: i32) -> (i32, i32, i32) {
    %add3A = arith.constant 10 : i32
    %add3A_0 = arith.addi %add3A, %arg0 : i32
    %c0_i32 = arith.constant 0 : i32
    %c0_i32_1 = arith.constant 0 : i32
    %c0_i32_2 = arith.constant 0 : i32
    return %add3A_0, %c0_i32, %c0_i32_1 : i32, i32, i32
  }
  func.func @transform_2(%arg0: i32) -> (i32, i32) {
    %c0_i32 = arith.constant 0 : i32
    %c0_i32_0 = arith.constant 0 : i32
    %c0_i32_1 = arith.constant 0 : i32
    return %c0_i32, %c0_i32_0 : i32, i32
  }
  func.func @transform_3(%arg0: i32) -> (i32, i32) {
    %c0_i32 = arith.constant 0 : i32
    %c0_i32_0 = arith.constant 0 : i32
    %c0_i32_1 = arith.constant 0 : i32
    return %c0_i32, %c0_i32_0 : i32, i32
  }
}

</mosaic_0001>

<sc_bundles>
// kernel: kernel.4.cloned.1.call-start
scs
__scs_entry_jumppad:
0x0: {  	(pc) =	sbr.rel $0x88, $3  }
0x1: {  	(tag) =	ssettag $0x0;
	lr =	simm.s32 $0x1  }
0x2: {  	[smem:$0x3F9E] =	sst lr;
	_ =	strace $0xD0000000  }
0x3: {  	_ = 	snop  }
0x4: {  	_ = 	snop  }
0x5: {  	_ = 	snop  }
0x6: {  	_ = 	snop  }
0x7: {  	_ = 	snop  }
__scs_overlays_trampoline_lowered:
0x8: {  	[smem:$0x3FAD] =	sst s0  }
0x9: {  	[smem:$0x3FAE] =	sst s1  }
0xa: {  	[smem:$0x3FAF] =	sst s2  }
0xb: {  	[smem:$0x3FB0] =	sst s3  }
0xc: {  	[smem:$0x3FB1] =	sst s4  }
0xd: {  	[smem:$0x3FB2] =	sst s5  }
0xe: {  	[smem:$0x3FB3] =	sst s6  }
0xf: {  	[smem:$0x3FB4] =	sst s7  }
0x10: {  	[smem:$0x3FB5] =	sst s8  }
0x11: {  	[smem:$0x3FB6] =	sst s9;
	s0 =	simm.s32 @!p0 $0x0  }
0x12: {  	s1 =	sld [smem:$0x3F9C];
	s0 =	simm.s32 @p0 $0x1  }
0x13: {  	[smem:$0x3FB7] =	sst s0;
	s0 =	simm.s32 @!p1 $0x0  }
0x14: {  	s2 =	sld [smem:$0x3F9B];
	s0 =	simm.s32 @p1 $0x1  }
0x15: {  	[smem:$0x3FB8] =	sst s0;
	s0 =	simm.s32 @!p2 $0x0  }
0x16: {  	s3 =	sld [smem:$0x3FDB];
	s0 =	simm.s32 @p2 $0x1  }
0x17: {  	s4 =	simm.s32 $0x1BF5;
	[smem:$0x3FBA] =	sst s0  }
0x18: {  	s0 =	sld [smem:$0x3F9D];
	_ =	swait.ge [sflag:s4], $0x0  }
0x19: {  	s7 =	sld [smem:$0x3F9E]  }
0x1a: {  	s8 =	sadd.s32 $0xFFFFE003, lr  }
0x1b: {  	s9 =	sadd.s32 $0xFFFFFEF7, lr;
	s5 =	simm.s32 $0xFFFFFFFF;
	p2 =	slt.u32 s8, $0xFFFFF086  }
0x1c: {  	p1 =	slt.u32 s9, $0xF7A;
	s5 =	simm.s32 @!p2 $0x0  }
0x1d: {  	s5 =	simm.s32 @p1 $0x1;
	p0 =	seq.s32 s7, s2  }
0x1e: {  	s7 =	smul.u32 @!p0 $0xF7A, s2;
	p2 =	seq.s32 @!p0 s5, $0x0  }
0x1f: {  	s9 =	smul.u32 $0xF7A, s1;
	s8 =	simm.s32 @!p0 $0x1BF5;
	p2 =	por !p2, p0  }
0x20: {  	[sflag:s8] =	ssyncset.s32 @!p0 $0xFFFFF086;
	s6 =	sadd.s32 @!p0 s3, s7;
	s7 =	simm.s32 @!p0 $0x108  }
0x21: {  	s3 =	sadd.s32 s3, s9;
	s6 =	sadd.s32 @!p0 $0x88, s6;
	s7 =	simm.s32 @p2 $0x1082  }
0x22: {  	[simem:s7], [sflag:s8] =	dma.local @!p0 [hbm:s6], $0xF7A  }
0x23: {  	s9 =	sor.u32 $0xD0000000, s2;
	s6 =	simm.s32 $0x108;
	_ =	swait.ge @!p0 [sflag:s8], $0x0  }
0x24: {  	s3 =	sadd.s32 $0x88, s3;
	s6 =	simm.s32 @!p1 $0x1082;
	[sflag:s4] =	ssyncset.s32 $0xFFFFF086  }
0x25: {  	[simem:s6], [sflag:s4] =	dma.local [hbm:s3], $0xF7A  }
0x26: {  	[smem:$0x3F9E] =	sst s1;
	(tag) =	ssettag s2;
	_ =	strace s9  }
0x27: {  	s1 =	sld [smem:$0x3FAE]  }
0x28: {  	s2 =	sld [smem:$0x3FAF]  }
0x29: {  	s4 =	sld [smem:$0x3FB1]  }
0x2a: {  	p0 =	seq.s32 s5, $0x0;
	s5 =	sld [smem:$0x3FB2]  }
0x2b: {  	s6 =	sld [smem:$0x3FB3]  }
0x2c: {  	s7 =	sld [smem:$0x3FB4]  }
0x2d: {  	s3 =	simm.s32 $0x108;
	s8 =	sld [smem:$0x3FB5]  }
0x2e: {  	s3 =	simm.s32 @!p0 $0x1082;
	s9 =	sld [smem:$0x3FB6]  }
0x2f: {  	lr =	sadd.s32 s0, s3;
	s0 =	sld [smem:$0x3FAD]  }
0x30: {  	s3 =	sld [smem:$0x3FB0]  }
0x31: {  	[smem:$0x3FB9] =	sst s10  }
0x32: {  	s10 =	sld [smem:$0x3FB7];
	_ =	sdelay $0x3  }
0x33: {  	p0 =	seq.s32 s10, $0x1;
	s10 =	sld [smem:$0x3FB9];
	_ =	sdelay $0x3  }
0x34: {  	[smem:$0x3FB9] =	sst s10  }
0x35: {  	s10 =	sld [smem:$0x3FB8];
	_ =	sdelay $0x3  }
0x36: {  	p1 =	seq.s32 s10, $0x1;
	s10 =	sld [smem:$0x3FB9];
	_ =	sdelay $0x3  }
0x37: {  	[smem:$0x3FB9] =	sst s10  }
0x38: {  	s10 =	sld [smem:$0x3FBA]  }
0x39: {  	_ = 	snop;
	(pc) =	sbr.ind lr, $3  }
0x3a: {  	_ = 	snop  }
0x3b: {  	_ = 	snop  }
0x3c: {  	p2 =	seq.s32 s10, $0x1;
	s10 =	sld [smem:$0x3FB9]  }
0x3d: {  	_ =	shalt  }
0x3e: {  	_ =	shalt  }
0x3f: {  	_ =	shalt  }
0x40: {  	_ =	shalt  }
0x41: {  	_ =	shalt  }
0x42: {  	_ =	shalt  }
0x43: {  	_ =	shalt  }
0x44: {  	_ =	shalt  }
0x45: {  	_ =	shalt  }
0x46: {  	_ =	shalt  }
0x47: {  	_ =	shalt  }
0x48: {  	_ =	shalt  }
0x49: {  	_ =	shalt  }
0x4a: {  	_ =	shalt  }
0x4b: {  	_ =	shalt  }
0x4c: {  	_ =	shalt  }
0x4d: {  	_ =	shalt  }
0x4e: {  	_ =	shalt  }
0x4f: {  	_ =	shalt  }
0x50: {  	_ =	shalt  }
0x51: {  	_ =	shalt  }
0x52: {  	_ =	shalt  }
0x53: {  	_ =	shalt  }
0x54: {  	_ =	shalt  }
0x55: {  	_ =	shalt  }
0x56: {  	_ =	shalt  }
0x57: {  	_ =	shalt  }
0x58: {  	_ =	shalt  }
0x59: {  	_ =	shalt  }
0x5a: {  	_ =	shalt  }
0x5b: {  	_ =	shalt  }
0x5c: {  	_ =	shalt  }
0x5d: {  	_ =	shalt  }
0x5e: {  	_ =	shalt  }
0x5f: {  	_ =	shalt  }
0x60: {  	_ =	shalt  }
0x61: {  	_ =	shalt  }
0x62: {  	_ =	shalt  }
0x63: {  	_ =	shalt  }
0x64: {  	_ =	shalt  }
0x65: {  	_ =	shalt  }
0x66: {  	_ =	shalt  }
0x67: {  	_ =	shalt  }
0x68: {  	_ =	shalt  }
0x69: {  	_ =	shalt  }
0x6a: {  	_ =	shalt  }
0x6b: {  	_ =	shalt  }
0x6c: {  	_ =	shalt  }
0x6d: {  	_ =	shalt  }
0x6e: {  	_ =	shalt  }
0x6f: {  	_ =	shalt  }
0x70: {  	_ =	shalt  }
0x71: {  	_ =	shalt  }
0x72: {  	_ =	shalt  }
0x73: {  	_ =	shalt  }
0x74: {  	_ =	shalt  }
0x75: {  	_ =	shalt  }
0x76: {  	_ =	shalt  }
0x77: {  	_ =	shalt  }
0x78: {  	_ =	shalt  }
0x79: {  	_ =	shalt  }
0x7a: {  	_ =	shalt  }
0x7b: {  	_ =	shalt  }
0x7c: {  	_ =	shalt  }
0x7d: {  	_ =	shalt  }
0x7e: {  	_ =	shalt  }
0x7f: {  	_ =	shalt  }
0x80: {  	_ =	shalt  }
0x81: {  	_ =	shalt  }
0x82: {  	_ =	shalt  }
0x83: {  	_ =	shalt  }
0x84: {  	_ =	shalt  }
0x85: {  	_ =	shalt  }
0x86: {  	_ =	shalt  }
0x87: {  	_ =	shalt  }
.Lfunc_end0:
.L_simem_size_0:
called_computation_lowered:
.L_overlay_start_0:
0x88: {  	s2 =	sld [smem:$0x3FD9]  }
0x89: {  	s3 =	sld [smem:$0x3FFE];
	_ =	sdelay $0x1  }
0x8a: {  	s1 =	srdreg.scid  }
0x8b: {  	s0 =	sand.u32 $0x1, s1  }
0x8c: {  	s17 =	sshll.u32 s0, $0xA;
	s2 =	sadd.s32 s3, s2  }
0x8d: {  	s2 =	sadd.s32 s2, s17  }
0x8e: {  	[smem:$0x3FC5] =	sst s2  }
0x8f: {  	_ = 	snop  }
0x90: {  	s2 =	sld [smem:$0x3FC9]  }
0x91: {  	s18 =	sld [smem:$0x3FC8]  }
0x92: {  	s4 =	sld [smem:$0x3FC7];
	(tm) =	ssettm $0x1  }
0x93: {  	s5 =	sld [smem:$0x3FFB];
	_ =	sdelay $0x3  }
0x94: {  	_ =	strace s5  }
0x95: {  	s5 =	sld [smem:$0x3FFC];
	_ =	sdelay $0x3  }
0x96: {  	_ =	strace s5  }
0x97: {  	s5 =	sld [smem:$0x3FFD];
	_ =	sdelay $0x3  }
0x98: {  	_ =	strace s5  }
0x99: {  	_ =	strace $0x8FFFFFFF  }
0x9a: {  	s19 =	sld [smem:$0x3FDB];
	_ =	sdelay $0x1  }
0x9b: {  	s6 =	simm.s32 $_scs_section_size  }
0x9c: {  	s7 =	simm.s32 $_size__tile_overlayer_lowered;
	s8 =	simm.s32 $_tile_overlayer_lowered  }
0x9d: {  	s22 =	simm.s32 $0x1BFF;
	s21 =	sshll.u32 s8, $0x1;
	s5 =	sadd.s32 s6, s19  }
0x9e: {  	s9 =	simm.s32 $0x0;
	s20 =	sshll.u32 s7, $0x1;
	s7 =	sadd.s32 s21, s5  }
0x9f: {  	[timem:s9], [sflag:s22] =	dma.local [hbm:s7], s20  }
0xa0: {  	_ =	swait.ge [sflag:s22], s20  }
0xa1: {  	s6 =	ssub.s32 $0x0, s20;
	[sflag:s22] =	ssyncset.done $0x0  }
0xa2: {  	[sflag:s22] =	ssyncadd.s32 s6;
	_ =	sdelay $0x1  }
0xa3: {  	s23 =	simm.s32 $0x1B8B  }
0xa4: {  	_ =	swait.ge [sflag:s23], $0x1  }
0xa5: {  	[sflag:s23] =	ssyncset.done $0x0  }
0xa6: {  	s25 =	simm.s32 $0x1B8E;
	s24 =	sld [smem:$0x3FFE];
	[sflag:s23] =	ssyncadd.s32 $0xFFFFFFFF  }
0xa7: {  	s26 =	simm.s32 $execute0_lowered;
	[smem:$0x3FD2] =	sst s25  }
0xa8: {  	s7 =	sshll.u32 s26, $0x1;
	_ =	strace $0x80000046;
	[dreg:$0x1] =	wrdreg $0xFFFFFFFF  }
0xa9: {  	s28 =	simm.s32 $_size_execute0_lowered;
	s5 =	sadd.s32 s5, s7;
	[dreg:$0x0] =	wrdreg $0x0  }
0xaa: {  	s7 =	sshll.u32 s28, $0x1;
	[dreg:$0x2] =	wrdreg s5  }
0xab: {  	[dreg:$0x3] =	wrdreg s7  }
0xac: {  	[dreg:$0x4] =	wrdreg $0xC0  }
0xad: {  	_ =	task [dreg:s9], $0x5FFFF  }
0xae: {  	[dreg:$0x1] =	wrdreg $0xFFFFFFFF  }
0xaf: {  	[dreg:$0x0] =	wrdreg $0x60  }
0xb0: {  	[dreg:$0x2] =	wrdreg s2  }
0xb1: {  	[dreg:$0x3] =	wrdreg s18  }
0xb2: {  	[dreg:$0x4] =	wrdreg s4  }
0xb3: {  	[dreg:$0x5] =	wrdreg s24  }
0xb4: {  	[dreg:$0x6] =	wrdreg $0x9  }
0xb5: {  	_ =	task.clear_ibuf [dreg:s9], $0x7FFFF;
	_ =	strace $0x90000046  }
0xb6: {  	s29 =	simm.s32 $0x9;
	_ =	strace $0x80000048  }
0xb7: {  	_ =	swait.ge [sflag:s29], $0x1  }
0xb8: {  	[sflag:s29] =	ssyncadd.s32 $0xFFFFFFFF  }
0xb9: {  	_ =	strace $0x90000048  }
0xba: {  	_ =	sfence  }
0xbb: {  	s30 =	sld [smem:$0x0];
	_ =	sdelay $0x2  }
0xbc: {  	s31 =	sshll.u32 s1, $0xD;
	s1 =	sshrl.u32 s1, $0x2  }
0xbd: {  	s3 =	sand.u32 $0x4000, s31;
	s1 =	sadd.s32 s1, s30  }
0xbe: {  	s0 =	sor.u32 s3, s0;
	s1 =	sshll.u32 s1, $0x11  }
0xbf: {  	s0 =	sor.u32 s1, s0  }
0xc0: {  	s0 =	sadd.s32 $0x8F2B, s0  }
0xc1: {  	[sflag:s0] =	ssyncadd.remote.s32 $0x1  }
0xc2: {  	_ =	sfence.sel $0xFFFF  }
0xc3: {  	[dreg:$0x0] =	wrdreg $0xFFFFFFFF;
	(pc) =	sbr.abs _section_cstart, $3  }
0xc4: {  	[dreg:$0x1] =	wrdreg $0xFFFFFFFF  }
0xc5: {  	_ =	task.clear_ibuf [dreg:s9], $0x2FFFF;
	_ =	strace $0x9FFFFFFF  }
0xc6: {  	(tm) =	ssettm $0x7FFFFFFF  }
0xc7: {  	_ =	shalt  }
tec
execute0_lowered:
.L_overlay_start_1:
0x0: {  	(tag) =	ssettag $0x1  }
0x1: {  	s5 =	rddreg [dreg:$0x0]  }
0x2: {  	s6 =	rddreg [dreg:$0x1]  }
0x3: {  	s2 =	rddreg [dreg:$0x2]  }
0x4: {  	s7 =	srdreg.scid;
	s1 =	stileid.u32  }
0x5: {  	s4 =	rddreg [dreg:$0x3];
	s7 =	sand.u32 $0x1, s7;
	s8 =	sshll.u32 s1, $0x1  }
0x6: {  	s0 =	rddreg [dreg:$0x4];
	s3 =	simm.s32 $0x0;
	s8 =	sor.u32 s7, s8  }
0x7: {  	s13 =	simm.s32 $0x1;
	s14 =	simm.s32 $0x9180;
	s9 =	smul.u32 $0x5000, s8  }
0x8: {  	s15 =	simm.s32 $0x0;
	[smem:$0x7FF] =	sst s3;
	s11 =	smul.u32 $0xA00, s8  }
0x9: {  	s7 =	ssub.s32 $0x2, s7;
	s10 =	sshll.u32 s8, $0x4;
	s8 =	smul.u32 $0x14, s8  }
0xa: {  	_ =	strace $0x80000047;
	s12 =	sshrl.u32 s7, $0x1;
	s10 =	sadd.s32 s10, s4  }
0xb: {  	s12 =	ssub.s32 s7, s12;
	s9 =	sshrl.u32 s9, $0x3;
	s6 =	sadd.s32 s6, s8  }
0xc: {  	s7 =	sadd.s32 $0x600, s10;
	s8 =	smax.u32 s12, $0x1;
	s10 =	simm.s32 $0x2  }
0xd: {  	v0 =	vlaneseq.u32;
	s12 =	simm.s32 $0x5100;
	s31 =	sadd.s32 s5, s9;
	s5 =	sadd.s32 s5, s11  }
0xe: {  	v1 =	vmul.u32 $0x80, v0;
	s9 =	simm.s32 $0x2800;
	s11 =	simm.s32 $0x5000;
	s4 =	sadd.s32 $0x500, s31  }
.LBB2_1:
0xf: {  	[tilespmem:s9], [sflag:$0x1] =	stream.linear.gather [hbm4b:s4+s3], $0x2800, $0x38;
	[tilespmem:$0x9200] =	vst v63  }
0x10: {  	_ = 	snop  }
0x11: {  	[tilespmem:s3], [sflag:$0x2] =	stream.linear.gather [hbm4b:s5+s3], $0x2800, $0x38;
	[tilespmem:$0x9200] =	vst v63  }
0x12: {  	_ =	swait.ge [sflag:s10], $0x2800  }
0x13: {  	[sflag:s10] =	ssyncset.done $0x0  }
0x14: {  	[sflag:s10] =	ssyncadd.s32 $0xFFFFD800  }
0x15: {  	[tilespmem:s11], [sflag:$0x2] =	stream.linear.gather [hbm4b:s6+s3], $0xA0, $0x38;
	[tilespmem:$0x9200] =	vst v63  }
0x16: {  	_ =	swait.ge [sflag:s10], $0xA0  }
0x17: {  	[sflag:s10] =	ssyncset.done $0x0  }
0x18: {  	[sflag:s10] =	ssyncadd.s32 $0xFFFFFF60  }
0x19: {  	[tilespmem:s12], [sflag:$0x2] =	stream.linear.gather [hbm4b:s2+s3], $0x80, $0x38;
	[tilespmem:$0x9200] =	vst v63  }
0x1a: {  	_ =	swait.ge [sflag:s10], $0x80  }
0x1b: {  	[sflag:s10] =	ssyncset.done $0x0  }
0x1c: {  	v3 =	vimm.f32 $0.0e+00;
	v2 =	vimm.f32 $0.0e+00;
	s16 =	simm.s32 $0x0;
	[sflag:s10] =	ssyncadd.s32 $0xFFFFFF80  }
.LBB2_2:
0x1d: {  	s17 =	sshll.u32 s16, $0x4  }
0x1e: {  	s18 =	simm.s32 $0x0;
	v4 =	vmov s17  }
0x1f: {  	v6 =	vadd.s32 s18, v0;
	v4 =	vshll.u32 v4, $0x7  }
0x20: {  	s29 =	simm.s32 $0x1;
	v5 =	vor.u32 v1, v4;
	v4 =	vand.u32 $0x7F, v6  }
0x21: {  	s30 =	simm.s32 $0x2;
	v6 =	vadd.s32 s29, v0;
	v4 =	vor.u32 v5, v4  }
0x22: {  	v7 =	vadd.s32 s30, v0;
	v6 =	vand.u32 $0x7F, v6  }
0x23: {  	s31 =	simm.s32 $0x3;
	v7 =	vand.u32 $0x7F, v7;
	v6 =	vor.u32 v5, v6  }
0x24: {  	v8 =	vadd.s32 s31, v0;
	v7 =	vor.u32 v5, v7  }
0x25: {  	s19 =	simm.s32 $0x4;
	v8 =	vand.u32 $0x7F, v8  }
0x26: {  	v9 =	vadd.s32 s19, v0;
	v8 =	vor.u32 v5, v8;
	v4 =	vld.idx.msk [tilespmem:v4+s3+$0x0], $0xffff  }
0x27: {  	v9 =	vand.u32 $0x7F, v9  }
0x28: {  	s20 =	simm.s32 $0x5;
	v9 =	vor.u32 v5, v9;
	v6 =	vld.idx.msk [tilespmem:v6+s3+$0x0], $0xffff  }
0x29: {  	s21 =	simm.s32 $0x6;
	v10 =	vadd.s32 s20, v0;
	v7 =	vld.idx.msk [tilespmem:v7+s3+$0x0], $0xffff  }
0x2a: {  	v11 =	vadd.s32 s21, v0;
	v10 =	vand.u32 $0x7F, v10  }
0x2b: {  	v11 =	vand.u32 $0x7F, v11;
	v10 =	vor.u32 v5, v10;
	v8 =	vld.idx.msk [tilespmem:v8+s3+$0x0], $0xffff;
	v4 =	vmul.f32 $1.442695020e+00, v4  }
0x2c: {  	s22 =	simm.s32 $0x7;
	v11 =	vor.u32 v5, v11  }
0x2d: {  	s19 =	simm.s32 $0x8;
	v12 =	vadd.s32 s22, v0;
	v9 =	vld.idx.msk [tilespmem:v9+s3+$0x0], $0xffff;
	v6 =	vmul.f32 $1.442695020e+00, v6;
	(erf) = vpow2.f32 v4  }
0x2e: {  	v13 =	vadd.s32 s19, v0;
	v7 =	vmul.f32 $1.442695020e+00, v7;
	v4 =	vand.u32 $0x7F, v12  }
0x2f: {  	s23 =	simm.s32 $0x9;
	v12 =	vand.u32 $0x7F, v13;
	v4 =	vor.u32 v5, v4;
	(erf) = vpow2.f32 v6  }
0x30: {  	s24 =	simm.s32 $0xA;
	v8 =	vmul.f32 $1.442695020e+00, v8;
	v13 =	vadd.s32 s23, v0;
	v6 =	vld.idx.msk [tilespmem:v10+s3+$0x0], $0xffff;
	v10 =	vor.u32 v5, v12  }
0x31: {  	v12 =	vand.u32 $0x7F, v13;
	v13 =	vadd.s32 s24, v0;
	(erf) = vpow2.f32 v7;
	v7 =	vld.idx.msk [tilespmem:v11+s3+$0x0], $0xffff  }
0x32: {  	s25 =	simm.s32 $0xB;
	v9 =	vmul.f32 $1.442695020e+00, v9;
	v11 =	vor.u32 v5, v12;
	v12 =	vand.u32 $0x7F, v13  }
0x33: {  	s26 =	simm.s32 $0xC;
	v13 =	vadd.s32 s25, v0;
	(erf) = vpow2.f32 v8;
	v8 =	vor.u32 v5, v12  }
0x34: {  	s28 =	simm.s32 $0xD;
	v12 =	vand.u32 $0x7F, v13;
	v13 =	vadd.s32 s26, v0;
	(erf) = vpow2.f32 v9;
	v4 =	vld.idx.msk [tilespmem:v4+s3+$0x0], $0xffff  }
0x35: {  	v6 =	vmul.f32 $1.442695020e+00, v6;
	v9 =	vld.idx.msk [tilespmem:v10+s3+$0x0], $0xffff;
	v10 =	vand.u32 $0x7F, v13;
	v13 =	vadd.s32 s28, v0  }
0x36: {  	v12 =	vor.u32 v5, v12;
	v7 =	vmul.f32 $1.442695020e+00, v7;
	v14 =	vpop (erf)  }
0x37: {  	s29 =	simm.s32 $0xE;
	v17 =	vor.u32 v5, v10;
	(erf) = vpow2.f32 v6;
	v15 =	vadd.f32 v14, v3  }
0x38: {  	v16 =	vld.idx.msk [tilespmem:v11+s3+$0x0], $0xffff;
	v11 =	vadd.s32 s29, v0;
	v6 =	vand.u32 $0x7F, v13;
	v13 =	vpop (erf);
	(erf) = vpow2.f32 v7  }
0x39: {  	s30 =	simm.s32 $0xF;
	v10 =	vld [tilespmem:s17+$0x5000];
	s17 =	simm.s32 $0x5380;
	v6 =	vor.u32 v5, v6;
	v4 =	vmul.f32 $1.442695020e+00, v4;
	v15 =	vadd.f32 v13, v15  }
0x3a: {  	s18 =	simm.s32 $0x10;
	v7 =	vand.u32 $0x7F, v11;
	v11 =	vadd.s32 s30, v0;
	[tilespmem:s17+$0xFFFFFE00] =	vst v14;
	v18 =	vpop (erf);
	v14 =	vmul.f32 $1.442695020e+00, v9;
	v9 =	vld.idx.msk [tilespmem:v8+s3+$0x0], $0xffff  }
0x3b: {  	(erf) = vpow2.f32 v4;
	v4 =	vadd.s32 s18, v0;
	v15 =	vadd.f32 v18, v15  }
0x3c: {  	[tilespmem:s17+$0xFFFFFE80] =	vst v13;
	v8 =	vor.u32 v5, v7;
	v19 =	vand.u32 $0x7F, v11;
	v11 =	vld.idx.msk [tilespmem:v12+s3+$0x0], $0xffff;
	v20 =	vpop (erf)  }
0x3d: {  	s31 =	simm.s32 $0x11;
	[tilespmem:s17+$0xFFFFFF00] =	vst v18;
	v13 =	vmul.f32 $1.442695020e+00, v16;
	(erf) = vpow2.f32 v14;
	v14 =	vadd.f32 v20, v15  }
0x3e: {  	s19 =	simm.s32 $0x18;
	v7 =	vld.idx.msk [tilespmem:v17+s3+$0x0], $0xffff;
	v16 =	vadd.s32 s31, v0;
	v12 =	vor.u32 v5, v19;
	[tilespmem:s17+$0xFFFFFF80] =	vst v20;
	v15 =	vand.u32 $0x7F, v4;
	v4 =	vpop (erf)  }
.LBB2_3:
0x3f: {  	p0 =	slt.u32 s19, $0x78;
	s20 =	sadd.s32 $0x2, s18;
	v9 =	vmul.f32 $1.442695020e+00, v9;
	v6 =	vld.idx.msk [tilespmem:v6+s3+$0x0], $0xffff;
	(erf) = vpow2.f32 v13;
	[tilespmem:s17+$0x0] =	vst v4;
	v4 =	vadd.f32 v4, v14  }
0x40: {  	v13 =	vor.u32 v5, v15;
	v14 =	vand.u32 $0x7F, v16;
	v15 =	vadd.s32 s20, v0;
	v16 =	vpop (erf)  }
0x41: {  	s20 =	sadd.s32 $0x3, s18;
	v11 =	vmul.f32 $1.442695020e+00, v11;
	v8 =	vld.idx.msk [tilespmem:v8+s3+$0x0], $0xffff;
	(erf) = vpow2.f32 v9;
	[tilespmem:s17+$0x80] =	vst v16;
	v4 =	vadd.f32 v16, v4  }
0x42: {  	v9 =	vor.u32 v5, v14;
	v14 =	vand.u32 $0x7F, v15;
	v15 =	vadd.s32 s20, v0;
	v16 =	vpop (erf)  }
0x43: {  	s20 =	sadd.s32 $0x4, s18;
	v7 =	vmul.f32 $1.442695020e+00, v7;
	v12 =	vld.idx.msk [tilespmem:v12+s3+$0x0], $0xffff;
	(erf) = vpow2.f32 v11;
	[tilespmem:s17+$0x100] =	vst v16;
	v4 =	vadd.f32 v16, v4  }
0x44: {  	v11 =	vor.u32 v5, v14;
	v14 =	vand.u32 $0x7F, v15;
	v15 =	vadd.s32 s20, v0;
	v16 =	vpop (erf)  }
0x45: {  	s20 =	sadd.s32 $0x5, s18;
	v6 =	vmul.f32 $1.442695020e+00, v6;
	v13 =	vld.idx.msk [tilespmem:v13+s3+$0x0], $0xffff;
	(erf) = vpow2.f32 v7;
	[tilespmem:s17+$0x180] =	vst v16;
	v4 =	vadd.f32 v16, v4  }
0x46: {  	v7 =	vor.u32 v5, v14;
	v14 =	vand.u32 $0x7F, v15;
	v15 =	vadd.s32 s20, v0;
	s17 =	sadd.s32 $0x400, s17;
	v16 =	vpop (erf)  }
0x47: {  	s20 =	sadd.s32 $0x6, s18;
	v8 =	vmul.f32 $1.442695020e+00, v8;
	v17 =	vld.idx.msk [tilespmem:v9+s3+$0x0], $0xffff;
	[tilespmem:s17+$0xFFFFFE00] =	vst v16;
	v4 =	vadd.f32 v16, v4;
	(erf) = vpow2.f32 v6  }
0x48: {  	v14 =	vor.u32 v5, v14;
	v6 =	vand.u32 $0x7F, v15;
	v15 =	vadd.s32 s20, v0;
	v16 =	vpop (erf)  }
0x49: {  	s20 =	sadd.s32 $0x7, s18;
	s18 =	smov.u32 s19;
	v12 =	vmul.f32 $1.442695020e+00, v12;
	v9 =	vld.idx.msk [tilespmem:v11+s3+$0x0], $0xffff;
	[tilespmem:s17+$0xFFFFFE80] =	vst v16;
	v4 =	vadd.f32 v16, v4;
	(erf) = vpow2.f32 v8  }
.Ltmp0:
0x4a: {  	v6 =	vor.u32 v5, v6;
	v20 =	vadd.s32 s20, v0;
	v8 =	vand.u32 $0x7F, v15;
	v16 =	vpop (erf);
	(pc) =	sbr.rel @p0 .LBB2_3-.Ltmp0, $4  }
0x4b: {  	v18 =	vmul.f32 $1.442695020e+00, v13;
	v11 =	vld.idx.msk [tilespmem:v7+s3+$0x0], $0xffff;
	[tilespmem:s17+$0xFFFFFF00] =	vst v16;
	v21 =	vadd.f32 v16, v4;
	(erf) = vpow2.f32 v12  }
0x4c: {  	v19 =	vand.u32 $0x7F, v20;
	v8 =	vor.u32 v5, v8;
	v12 =	vadd.s32 s19, v0;
	v15 =	vpop (erf)  }
0x4d: {  	s20 =	sadd.s32 $0x1, s19;
	v13 =	vmul.f32 $1.442695020e+00, v17;
	v7 =	vld.idx.msk [tilespmem:v14+s3+$0x0], $0xffff;
	(erf) = vpow2.f32 v18;
	[tilespmem:s17+$0xFFFFFF80] =	vst v15;
	v14 =	vadd.f32 v15, v21  }
0x4e: {  	v16 =	vadd.s32 s20, v0;
	s19 =	sadd.s32 $0x8, s19;
	v15 =	vand.u32 $0x7F, v12;
	v12 =	vor.u32 v5, v19;
	v4 =	vpop (erf)  }
0x4f: {  	_ =	sdelay $0x3  }
0x50: {  	s19 =	sadd.s32 $0x2, s18;
	v9 =	vmul.f32 $1.442695020e+00, v9;
	(erf) = vpow2.f32 v13;
	v13 =	vadd.f32 v4, v14;
	v6 =	vld.idx.msk [tilespmem:v6+s3+$0x0], $0xffff  }
0x51: {  	v14 =	vor.u32 v5, v15;
	v15 =	vand.u32 $0x7F, v16;
	v8 =	vld.idx.msk [tilespmem:v8+s3+$0x0], $0xffff;
	v16 =	vadd.s32 s19, v0;
	v17 =	vpop (erf)  }
0x52: {  	s30 =	sadd.s32 $0x3, s18;
	v11 =	vmul.f32 $1.442695020e+00, v11;
	(erf) = vpow2.f32 v9;
	v9 =	vadd.f32 v17, v13  }
0x53: {  	v13 =	vor.u32 v5, v15;
	v15 =	vand.u32 $0x7F, v16;
	v16 =	vadd.s32 s30, v0  }
0x54: {  	v18 =	vpop (erf);
	v7 =	vmul.f32 $1.442695020e+00, v7;
	(erf) = vpow2.f32 v11;
	v11 =	vld.idx.msk [tilespmem:v12+s3+$0x0], $0xffff;
	v12 =	vor.u32 v5, v15  }
0x55: {  	s31 =	sadd.s32 $0x4, s18;
	v15 =	vand.u32 $0x7F, v16;
	v9 =	vadd.f32 v18, v9;
	v6 =	vmul.f32 $1.442695020e+00, v6  }
0x56: {  	v16 =	vadd.s32 s31, v0;
	v19 =	vpop (erf);
	(erf) = vpow2.f32 v7;
	v8 =	vmul.f32 $1.442695020e+00, v8  }
0x57: {  	s20 =	sadd.s32 $0x5, s18;
	v7 =	vadd.f32 v19, v9;
	v9 =	vld.idx.msk [tilespmem:v14+s3+$0x0], $0xffff;
	v14 =	vor.u32 v5, v15;
	v15 =	vand.u32 $0x7F, v16  }
0x58: {  	s21 =	sadd.s32 $0x6, s18;
	v16 =	vadd.s32 s20, v0;
	v20 =	vpop (erf);
	(erf) = vpow2.f32 v6;
	v6 =	vld.idx.msk [tilespmem:v13+s3+$0x0], $0xffff;
	v13 =	vor.u32 v5, v15  }
0x59: {  	v15 =	vand.u32 $0x7F, v16;
	v16 =	vadd.s32 s21, v0;
	v7 =	vadd.f32 v20, v7  }
0x5a: {  	s22 =	sadd.s32 $0x7, s18;
	v11 =	vmul.f32 $1.442695020e+00, v11;
	v21 =	vpop (erf);
	(erf) = vpow2.f32 v8;
	v8 =	vld.idx.msk [tilespmem:v12+s3+$0x0], $0xffff;
	v12 =	vor.u32 v5, v15  }
0x5b: {  	v15 =	vand.u32 $0x7F, v16;
	v16 =	vadd.s32 s22, v0;
	v7 =	vadd.f32 v21, v7  }
0x5c: {  	v22 =	vpop (erf);
	v9 =	vmul.f32 $1.442695020e+00, v9;
	(erf) = vpow2.f32 v11  }
0x5d: {  	v11 =	vld.idx.msk [tilespmem:v14+s3+$0x0], $0xffff;
	v14 =	vor.u32 v5, v15;
	v15 =	vand.u32 $0x7F, v16;
	v7 =	vadd.f32 v22, v7  }
0x5e: {  	v16 =	vpop (erf)  }
0x5f: {  	v6 =	vmul.f32 $1.442695020e+00, v6;
	(erf) = vpow2.f32 v9;
	v7 =	vadd.f32 v16, v7  }
0x60: {  	v9 =	vld.idx.msk [tilespmem:v13+s3+$0x0], $0xffff;
	v13 =	vor.u32 v5, v15;
	v15 =	vpop (erf)  }
0x61: {  	v8 =	vmul.f32 $1.442695020e+00, v8;
	(erf) = vpow2.f32 v6;
	v6 =	vadd.f32 v15, v7;
	v7 =	vld.idx.msk [tilespmem:v12+s3+$0x0], $0xffff  }
0x62: {  	v12 =	vpop (erf)  }
0x63: {  	v11 =	vmul.f32 $1.442695020e+00, v11;
	(erf) = vpow2.f32 v8;
	v8 =	vld.idx.msk [tilespmem:v14+s3+$0x0], $0xffff;
	v6 =	vadd.f32 v12, v6  }
0x64: {  	v14 =	vpop (erf)  }
0x65: {  	v9 =	vmul.f32 $1.442695020e+00, v9;
	(erf) = vpow2.f32 v11;
	v11 =	vld.idx.msk [tilespmem:v13+s3+$0x0], $0xffff;
	v6 =	vadd.f32 v14, v6  }
0x66: {  	[tilespmem:s17+$0x0] =	vst v4;
	v13 =	vpop (erf);
	v4 =	vmul.f32 $1.442695020e+00, v7  }
0x67: {  	(erf) = vpow2.f32 v9;
	v6 =	vadd.f32 v13, v6  }
0x68: {  	[tilespmem:s17+$0x80] =	vst v17;
	v8 =	vmul.f32 $1.442695020e+00, v8;
	v7 =	vpop (erf)  }
0x69: {  	[tilespmem:s17+$0x100] =	vst v18;
	(erf) = vpow2.f32 v4;
	v6 =	vadd.f32 v7, v6  }
0x6a: {  	s23 =	sadd.s32 $0x400, s17;
	[tilespmem:s17+$0x180] =	vst v19;
	v9 =	vmul.f32 $1.442695020e+00, v11;
	v4 =	vpop (erf)  }
0x6b: {  	[tilespmem:s23+$0xFFFFFE00] =	vst v20;
	(erf) = vpow2.f32 v8;
	v6 =	vadd.f32 v4, v6  }
0x6c: {  	[tilespmem:s23+$0xFFFFFE80] =	vst v21;
	v8 =	vpop (erf)  }
0x6d: {  	[tilespmem:s23+$0xFFFFFF00] =	vst v22;
	(erf) = vpow2.f32 v9;
	v6 =	vadd.f32 v8, v6  }
0x6e: {  	[tilespmem:s23+$0xFFFFFF80] =	vst v16;
	v9 =	vpop (erf)  }
0x6f: {  	[tilespmem:s23+$0x0] =	vst v15;
	v6 =	vadd.f32 v9, v6  }
0x70: {  	[tilespmem:s23+$0x80] =	vst v12;
	v11 =	vpop (erf)  }
0x71: {  	[tilespmem:s23+$0x100] =	vst v14;
	v6 =	vadd.f32 v11, v6  }
0x72: {  	s17 =	sadd.s32 $0x400, s23;
	[tilespmem:s23+$0x180] =	vst v13;
	v12 =	vpop (erf)  }
0x73: {  	[tilespmem:s17+$0xFFFFFE00] =	vst v7;
	v6 =	vadd.f32 v12, v6  }
0x74: {  	[tilespmem:s17+$0xFFFFFE80] =	vst v4;
	v7 =	vpop (erf)  }
0x75: {  	s30 =	simm.s32 $0x1;
	[tilespmem:s17+$0xFFFFFF00] =	vst v8;
	v4 =	vadd.f32 v7, v6  }
0x76: {  	v19 =	vadd.s32 s30, v0;
	[tilespmem:s17+$0xFFFFFF80] =	vst v9;
	v8 =	vpop (erf)  }
0x77: {  	s31 =	simm.s32 $0x2;
	v21 =	vand.u32 $0x7F, v19;
	[tilespmem:s17+$0x0] =	vst v11;
	v6 =	vadd.f32 v8, v4  }
0x78: {  	s28 =	simm.s32 $0x3;
	v33 =	vcvt.s32.f32 v21;
	v16 =	vadd.s32 s31, v0;
	[tilespmem:s17+$0x80] =	vst v12  }
0x79: {  	s26 =	simm.s32 $0x4;
	v16 =	vand.u32 $0x7F, v16;
	v15 =	vadd.s32 s28, v0;
	[tilespmem:s17+$0x100] =	vst v7;
	(erf) = vrcp.f32 v6  }
0x7a: {  	s24 =	simm.s32 $0x7;
	s25 =	simm.s32 $0x6;
	v14 =	vadd.s32 s26, v0;
	v9 =	vand.u32 $0x7F, v10;
	v7 =	vand.u32 $0xFFFFFF80, v10;
	[tilespmem:s17+$0x180] =	vst v8;
	s17 =	simm.s32 $0x5380  }
0x7b: {  	s29 =	simm.s32 $0x0;
	v11 =	vadd.s32 s24, v0;
	v12 =	vadd.s32 s25, v0;
	v5 =	vadd.s32 v5, v7;
	v18 =	vld [tilespmem:s17+$0x180]  }
0x7c: {  	v23 =	vld [tilespmem:s17+$0x100];
	v7 =	vand.u32 $0x7F, v12;
	v9 =	vor.u32 v9, v5;
	v5 =	vadd.s32 s29, v0  }
0x7d: {  	v24 =	vld [tilespmem:s17+$0x80];
	v4 =	vcvt.s32.f32 v10;
	v17 =	vand.u32 $0x7F, v5;
	v5 =	vand.u32 $0x7F, v11  }
0x7e: {  	s20 =	simm.s32 $0x5;
	v12 =	vld [tilespmem:s17+$0x0];
	v11 =	vand.u32 $0x7F, v14;
	v14 =	vand.u32 $0x7F, v15;
	v20 =	vcvt.s32.f32 v17  }
0x7f: {  	v19 =	vcvt.s32.f32 v16;
	v25 =	vld [tilespmem:s17+$0xFFFFFF80];
	v8 =	vadd.s32 s20, v0;
	v32 =	vcvt.s32.f32 v14  }
0x80: {  	v27 =	vcvt.s32.f32 v7;
	v8 =	vand.u32 $0x7F, v8;
	v15 =	vld [tilespmem:s17+$0xFFFFFF00];
	v20 =	vsub.f32 v20, v4  }
0x81: {  	v31 =	vld [tilespmem:s17+$0xFFFFFE00];
	v26 =	vcvt.s32.f32 v5;
	v29 =	vcvt.s32.f32 v11;
	v36 =	vsub.f32 v32, v4  }
0x82: {  	v13 =	vimm.f32 $0.0e+00;
	v28 =	vld [tilespmem:s17+$0xFFFFFE80];
	v30 =	vcvt.s32.f32 v8;
	v20 =	vmul.f32 v20, v20;
	v22 =	vpop (erf)  }
0x83: {  	v38 =	vsub.f32 v19, v4;
	v19 =	vmul.f32 v36, v36;
	v23 =	vmul.f32 v23, v22  }
0x84: {  	v30 =	vsub.f32 v30, v4;
	v34 =	vmul.f32 v18, v22;
	v35 =	vmul.f32 v12, v22  }
0x85: {  	v18 =	vsub.f32 v29, v4;
	v24 =	vmul.f32 v24, v22;
	v29 =	vmul.f32 v15, v22  }
0x86: {  	v27 =	vsub.f32 v27, v4;
	v25 =	vmul.f32 v25, v22;
	v31 =	vmul.f32 v31, v22  }
0x87: {  	v39 =	vsub.f32 v33, v4;
	v37 =	vmul.f32 v28, v22;
	v15 =	vmul.f32 v30, v30  }
0x88: {  	v12 =	vmul.f32 v27, v27;
	v32 =	vsub.f32 $1.000000000e+00, v23;
	v28 =	vsub.f32 $1.000000000e+00, v34  }
0x89: {  	v18 =	vmul.f32 v18, v18;
	v33 =	vsub.f32 $1.000000000e+00, v35;
	v34 =	vsub.f32 $1.000000000e+00, v24  }
0x8a: {  	v27 =	vsub.f32 $1.000000000e+00, v29;
	v23 =	vmul.f32 v38, v38;
	v29 =	vsub.f32 $1.000000000e+00, v25  }
0x8b: {  	v30 =	vsub.f32 $1.000000000e+00, v31;
	v31 =	vsub.f32 $1.000000000e+00, v37;
	v24 =	vmul.f32 v39, v39  }
0x8c: {  	v25 =	vadd.s32 $0x4AFB0D, v34;
	v61 =	vadd.s32 $0x4AFB0D, v32;
	v62 =	vadd.s32 $0x4AFB0D, v28  }
0x8d: {  	v63 =	vadd.s32 $0x4AFB0D, v27;
	v57 =	vadd.s32 $0x4AFB0D, v29;
	v58 =	vadd.s32 $0x4AFB0D, v33  }
0x8e: {  	v40 =	vadd.s32 $0x4AFB0D, v30;
	v41 =	vadd.s32 $0x4AFB0D, v31;
	v42 =	vshrl.u32 v62, $0x17  }
0x8f: {  	v43 =	vshrl.u32 v58, $0x17;
	v44 =	vshrl.u32 v25, $0x17;
	v45 =	vshrl.u32 v61, $0x17  }
0x90: {  	v46 =	vshrl.u32 v41, $0x17;
	v47 =	vshrl.u32 v63, $0x17;
	v48 =	vshrl.u32 v57, $0x17  }
0x91: {  	v49 =	vshrl.u32 v40, $0x17;
	v50 =	vand.u32 $0xFF800000, v61;
	v51 =	vand.u32 $0xFF800000, v62  }
0x92: {  	v52 =	vand.u32 $0xFF800000, v57;
	v53 =	vand.u32 $0xFF800000, v58;
	v54 =	vand.u32 $0xFF800000, v25  }
0x93: {  	v35 =	vand.u32 $0xFF800000, v40;
	v36 =	vand.u32 $0xFF800000, v41;
	v39 =	vand.u32 $0xFF800000, v63  }
0x94: {  	v59 =	vadd.s32 $0xFFFFFF81, v44;
	v25 =	vadd.s32 $0xFFFFFF81, v45;
	v60 =	vadd.s32 $0xFFFFFF81, v42  }
0x95: {  	v61 =	vadd.s32 $0xFFFFFF81, v47;
	v62 =	vadd.s32 $0xFFFFFF81, v48;
	v43 =	vadd.s32 $0xFFFFFF81, v43  }
0x96: {  	v63 =	vadd.s32 $0xFFFFFF81, v49;
	v55 =	vadd.s32 $0xFFFFFF81, v46;
	v45 =	vsub.s32 $0x7F000000, v51  }
0x97: {  	v46 =	vsub.s32 $0x7F000000, v50;
	v37 =	vcvt.s32.f32 v25;
	v25 =	vcvt.s32.f32 v60  }
0x98: {  	v47 =	vsub.s32 $0x7F000000, v54;
	v38 =	vcvt.s32.f32 v43;
	v43 =	vcvt.s32.f32 v59  }
0x99: {  	v10 =	vld.idx.msk [tilespmem:v10+s12+$0x0], $0xffff;
	v49 =	vsub.s32 $0x7F000000, v53;
	v41 =	vcvt.s32.f32 v61;
	v44 =	vcvt.s32.f32 v62  }
0x9a: {  	s18 =	simm.s32 $0x8;
	v9 =	vld.idx.msk [tilespmem:v9+s29+$0x0], $0xffff;
	v48 =	vsub.s32 $0x7F000000, v52;
	v40 =	vcvt.s32.f32 v63;
	v42 =	vcvt.s32.f32 v55  }
.LBB2_5:
0x9b: {  	p0 =	slt.u32 s18, $0x78;
	v39 =	vsub.s32 $0x7F000000, v39;
	v32 =	vmul.f32 v46, v32;
	v45 =	vmul.f32 v45, v28  }
0x9c: {  	v28 =	vsub.s32 $0x7F000000, v36;
	v46 =	vmul.f32 v49, v33;
	v47 =	vmul.f32 v47, v34  }
0x9d: {  	v33 =	vsub.s32 $0x7F000000, v35;
	v29 =	vmul.f32 v48, v29;
	v49 =	vmul.f32 v39, v27  }
0x9e: {  	v48 =	vmul.f32 v33, v30;
	v31 =	vmul.f32 v28, v31  }
0x9f: {  	s19 =	sadd.s32 $0x7, s18;
	v34 =	vmul.f32 $6.931471820e-01, v43;
	v28 =	vadd.s32 s18, v0;
	v30 =	vmul.f32 $6.931471820e-01, v37  }
0xa0: {  	v36 =	vmul.f32 $6.931471820e-01, v38;
	v27 =	vadd.s32 s19, v0;
	v39 =	vmul.f32 $6.931471820e-01, v44  }
0xa1: {  	v41 =	vmul.f32 $6.931471820e-01, v41;
	v35 =	vadd.f32 $-1.000000000e+00, v32;
	v33 =	vadd.f32 $-1.000000000e+00, v45  }
0xa2: {  	v43 =	vmul.f32 $6.931471820e-01, v42;
	v42 =	vadd.f32 $-1.000000000e+00, v46;
	v38 =	vadd.f32 $-1.000000000e+00, v47  }
0xa3: {  	v44 =	vmul.f32 $6.931471820e-01, v40;
	v46 =	vadd.f32 $-1.000000000e+00, v29;
	v45 =	vadd.f32 $-1.000000000e+00, v49  }
0xa4: {  	v47 =	vadd.f32 $-1.000000000e+00, v31;
	v40 =	vmul.f32 v35, v35;
	v37 =	vmul.f32 v33, v33  }
0xa5: {  	s19 =	sadd.s32 $0x6, s18;
	v48 =	vadd.f32 $-1.000000000e+00, v48;
	v49 =	vmul.f32 v42, v42;
	v50 =	vmul.f32 v38, v38  }
0xa6: {  	s20 =	sadd.s32 $0x5, s18;
	v29 =	vadd.s32 s19, v0;
	v52 =	vmul.f32 v46, v46;
	v51 =	vmul.f32 v45, v45  }
0xa7: {  	s19 =	sadd.s32 $0x4, s18;
	v32 =	vadd.s32 s20, v0;
	v53 =	vmul.f32 v48, v48;
	v54 =	vmul.f32 v47, v47  }
0xa8: {  	v31 =	vadd.s32 s19, v0;
	v55 =	vmul.f32 $1.457853620e-01, v35;
	v56 =	vmul.f32 $1.457853620e-01, v33  }
0xa9: {  	v26 =	vsub.f32 v26, v4;
	v57 =	vmul.f32 $1.457853620e-01, v42;
	v58 =	vmul.f32 $1.457853620e-01, v38  }
0xaa: {  	v60 =	vmul.f32 $1.457853620e-01, v46;
	v59 =	vmul.f32 $1.457853620e-01, v48;
	v56 =	vsub.f32 $2.155584690e-01, v56  }
0xab: {  	v61 =	vmul.f32 $1.457853620e-01, v45;
	v58 =	vsub.f32 $2.155584690e-01, v58;
	v55 =	vsub.f32 $2.155584690e-01, v55  }
0xac: {  	v62 =	vmul.f32 $1.457853620e-01, v47;
	v57 =	vsub.f32 $2.155584690e-01, v57;
	v59 =	vsub.f32 $2.155584690e-01, v59  }
0xad: {  	v60 =	vsub.f32 $2.155584690e-01, v60;
	v55 =	vmul.f32 v55, v35;
	v56 =	vmul.f32 v56, v33  }
0xae: {  	v62 =	vsub.f32 $2.155584690e-01, v62;
	v58 =	vmul.f32 v58, v38;
	v59 =	vmul.f32 v59, v48  }
0xaf: {  	v61 =	vsub.f32 $2.155584690e-01, v61;
	v60 =	vmul.f32 v60, v46;
	v57 =	vmul.f32 v57, v42  }
0xb0: {  	v62 =	vmul.f32 v62, v47;
	v56 =	vadd.f32 $-2.522938550e-01, v56;
	v59 =	vadd.f32 $-2.522938550e-01, v59  }
0xb1: {  	v61 =	vmul.f32 v61, v45;
	v58 =	vadd.f32 $-2.522938550e-01, v58;
	v55 =	vadd.f32 $-2.522938550e-01, v55  }
0xb2: {  	v57 =	vadd.f32 $-2.522938550e-01, v57;
	v62 =	vadd.f32 $-2.522938550e-01, v62;
	v59 =	vmul.f32 v59, v48  }
0xb3: {  	v61 =	vadd.f32 $-2.522938550e-01, v61;
	v55 =	vmul.f32 v55, v35;
	v56 =	vmul.f32 v56, v33  }
0xb4: {  	v58 =	vmul.f32 v58, v38;
	v62 =	vmul.f32 v62, v47;
	v59 =	vadd.f32 $3.329927030e-01, v59  }
0xb5: {  	v60 =	vadd.f32 $-2.522938550e-01, v60;
	v57 =	vmul.f32 v57, v42;
	v61 =	vmul.f32 v61, v45  }
0xb6: {  	v56 =	vadd.f32 $3.329927030e-01, v56;
	v62 =	vadd.f32 $3.329927030e-01, v62;
	v59 =	vmul.f32 v59, v48  }
0xb7: {  	v60 =	vmul.f32 v60, v46;
	v58 =	vadd.f32 $3.329927030e-01, v58;
	v55 =	vadd.f32 $3.329927030e-01, v55  }
0xb8: {  	v61 =	vadd.f32 $3.329927030e-01, v61;
	v62 =	vmul.f32 v62, v47;
	v59 =	vadd.f32 $-4.999788110e-01, v59  }
0xb9: {  	v60 =	vadd.f32 $3.329927030e-01, v60;
	v55 =	vmul.f32 v55, v35;
	v56 =	vmul.f32 v56, v33  }
0xba: {  	v61 =	vmul.f32 v61, v45;
	v53 =	vmul.f32 v59, v53;
	v59 =	vadd.f32 $-4.999788110e-01, v62  }
0xbb: {  	v57 =	vadd.f32 $3.329927030e-01, v57;
	v60 =	vmul.f32 v60, v46;
	v58 =	vmul.f32 v58, v38  }
0xbc: {  	v48 =	vadd.f32 v53, v48;
	v53 =	vmul.f32 v59, v54;
	v54 =	vadd.f32 $-4.999788110e-01, v61;
	v17 =	vld.idx.msk [tilespmem:v17+s12+$0x0], $0xffff  }
0xbd: {  	v57 =	vmul.f32 v57, v42;
	v56 =	vadd.f32 $-4.999788110e-01, v56;
	v59 =	vadd.f32 $-4.999788110e-01, v60  }
0xbe: {  	v44 =	vadd.f32 v48, v44;
	v47 =	vadd.f32 v53, v47;
	v48 =	vmul.f32 v54, v51;
	v21 =	vld.idx.msk [tilespmem:v21+s12+$0x0], $0xffff  }
0xbf: {  	v51 =	vmul.f32 v59, v52;
	v52 =	vadd.f32 $-4.999788110e-01, v57;
	v53 =	vadd.f32 $-4.999788110e-01, v55  }
0xc0: {  	v20 =	vmul.f32 v44, v20;
	v43 =	vadd.f32 v47, v43;
	v44 =	vadd.f32 v48, v45;
	v16 =	vld.idx.msk [tilespmem:v16+s12+$0x0], $0xffff  }
0xc1: {  	v45 =	vadd.f32 v51, v46;
	v46 =	vmul.f32 v52, v49;
	v47 =	vadd.f32 $-4.999788110e-01, v58  }
0xc2: {  	v17 =	vmul.f32 v20, v17;
	v20 =	vmul.f32 v43, v24;
	v24 =	vadd.f32 v44, v41;
	v14 =	vld.idx.msk [tilespmem:v14+s12+$0x0], $0xffff  }
0xc3: {  	v39 =	vadd.f32 v45, v39;
	v41 =	vadd.f32 v46, v42;
	v42 =	vmul.f32 v47, v50  }
0xc4: {  	v13 =	vadd.f32 v17, v13;
	v17 =	vmul.f32 v20, v21;
	v20 =	vmul.f32 v24, v23;
	v11 =	vld.idx.msk [tilespmem:v11+s12+$0x0], $0xffff  }
0xc5: {  	v21 =	vadd.f32 v41, v36;
	v23 =	vadd.f32 v42, v38;
	v24 =	vmul.f32 v53, v40  }
0xc6: {  	v13 =	vadd.f32 v17, v13;
	v16 =	vmul.f32 v20, v16;
	v17 =	vmul.f32 v39, v19;
	v8 =	vld.idx.msk [tilespmem:v8+s12+$0x0], $0xffff  }
0xc7: {  	v19 =	vadd.f32 v23, v34;
	v20 =	vadd.f32 v24, v35;
	v23 =	vmul.f32 v56, v37  }
0xc8: {  	v13 =	vadd.f32 v16, v13;
	v14 =	vmul.f32 v17, v14;
	v16 =	vmul.f32 v21, v18;
	v7 =	vld.idx.msk [tilespmem:v7+s12+$0x0], $0xffff  }
0xc9: {  	v17 =	vadd.f32 v20, v30;
	v18 =	vadd.f32 v23, v33;
	v20 =	vmul.f32 $6.931471820e-01, v25  }
0xca: {  	s19 =	sadd.s32 $0x3, s18;
	v13 =	vadd.f32 v14, v13;
	v11 =	vmul.f32 v16, v11;
	v14 =	vmul.f32 v19, v15;
	v15 =	vld.idx.msk [tilespmem:v5+s12+$0x0], $0xffff  }
0xcb: {  	v19 =	vadd.s32 s19, v0;
	v16 =	vmul.f32 v26, v26;
	v5 =	vadd.f32 v18, v20  }
0xcc: {  	s17 =	sadd.s32 $0x400, s17;
	s20 =	sadd.s32 $0x2, s18;
	s19 =	sadd.s32 $0x1, s18;
	v12 =	vmul.f32 v17, v12;
	v11 =	vadd.f32 v11, v13;
	v8 =	vmul.f32 v14, v8  }
0xcd: {  	v17 =	vand.u32 $0x7F, v28;
	v18 =	vadd.s32 s19, v0;
	v13 =	vadd.s32 s20, v0;
	v23 =	vld [tilespmem:s17+$0x180]  }
0xce: {  	v16 =	vmul.f32 v5, v16;
	v14 =	vadd.f32 v8, v11;
	v12 =	vmul.f32 v12, v7;
	v24 =	vld [tilespmem:s17+$0x100]  }
0xcf: {  	v5 =	vand.u32 $0x7F, v27;
	v8 =	vand.u32 $0x7F, v32;
	v7 =	vand.u32 $0x7F, v29;
	v25 =	vld [tilespmem:s17+$0x80]  }
0xd0: {  	v11 =	vand.u32 $0x7F, v31;
	v12 =	vadd.f32 v12, v14;
	v15 =	vmul.f32 v16, v15;
	v27 =	vld [tilespmem:s17+$0x0]  }
0xd1: {  	v20 =	vcvt.s32.f32 v17;
	v16 =	vand.u32 $0x7F, v13;
	v14 =	vand.u32 $0x7F, v19;
	v19 =	vld [tilespmem:s17+$0xFFFFFF80]  }
0xd2: {  	v26 =	vcvt.s32.f32 v5;
	v29 =	vcvt.s32.f32 v7;
	v13 =	vadd.f32 v15, v12;
	v28 =	vld [tilespmem:s17+$0xFFFFFF00]  }
0xd3: {  	v30 =	vcvt.s32.f32 v11;
	v31 =	vcvt.s32.f32 v8;
	v12 =	vsub.f32 v20, v4;
	v15 =	vld [tilespmem:s17+$0xFFFFFE80]  }
0xd4: {  	v21 =	vand.u32 $0x7F, v18;
	v18 =	vcvt.s32.f32 v16;
	v33 =	vcvt.s32.f32 v14;
	v32 =	vld [tilespmem:s17+$0xFFFFFE00]  }
0xd5: {  	v29 =	vsub.f32 v29, v4;
	v20 =	vmul.f32 v12, v12;
	v12 =	vcvt.s32.f32 v21  }
0xd6: {  	v31 =	vsub.f32 v31, v4;
	v23 =	vmul.f32 v23, v22;
	v24 =	vmul.f32 v24, v22  }
0xd7: {  	v30 =	vsub.f32 v30, v4;
	v25 =	vmul.f32 v25, v22;
	v27 =	vmul.f32 v27, v22  }
0xd8: {  	v36 =	vmul.f32 v19, v22;
	v19 =	vsub.f32 v33, v4;
	v35 =	vmul.f32 v28, v22  }
0xd9: {  	v39 =	vsub.f32 v18, v4;
	v38 =	vmul.f32 v15, v22;
	v37 =	vmul.f32 v32, v22  }
0xda: {  	v40 =	vsub.f32 v12, v4;
	v12 =	vmul.f32 v29, v29;
	v15 =	vmul.f32 v31, v31  }
0xdb: {  	v18 =	vmul.f32 v30, v30;
	v28 =	vsub.f32 $1.000000000e+00, v23;
	v32 =	vsub.f32 $1.000000000e+00, v24  }
0xdc: {  	v34 =	vsub.f32 $1.000000000e+00, v25;
	v33 =	vsub.f32 $1.000000000e+00, v27;
	v19 =	vmul.f32 v19, v19  }
0xdd: {  	v23 =	vmul.f32 v39, v39;
	v29 =	vsub.f32 $1.000000000e+00, v36;
	v27 =	vsub.f32 $1.000000000e+00, v35  }
0xde: {  	v24 =	vmul.f32 v40, v40;
	v31 =	vsub.f32 $1.000000000e+00, v38;
	v30 =	vsub.f32 $1.000000000e+00, v37  }
0xdf: {  	v25 =	vadd.s32 $0x4AFB0D, v34;
	v36 =	vadd.s32 $0x4AFB0D, v28;
	v35 =	vadd.s32 $0x4AFB0D, v32  }
0xe0: {  	v39 =	vadd.s32 $0x4AFB0D, v33;
	v38 =	vadd.s32 $0x4AFB0D, v29;
	v37 =	vadd.s32 $0x4AFB0D, v27  }
0xe1: {  	v42 =	vshrl.u32 v36, $0x17;
	v41 =	vadd.s32 $0x4AFB0D, v31;
	v40 =	vadd.s32 $0x4AFB0D, v30  }
0xe2: {  	v44 =	vshrl.u32 v25, $0x17;
	v43 =	vshrl.u32 v39, $0x17;
	v45 =	vshrl.u32 v35, $0x17  }
0xe3: {  	v48 =	vshrl.u32 v38, $0x17;
	v47 =	vshrl.u32 v37, $0x17;
	v46 =	vshrl.u32 v41, $0x17  }
0xe4: {  	v51 =	vand.u32 $0xFF800000, v36;
	v50 =	vand.u32 $0xFF800000, v35;
	v49 =	vshrl.u32 v40, $0x17  }
0xe5: {  	v54 =	vand.u32 $0xFF800000, v25;
	v53 =	vand.u32 $0xFF800000, v39;
	v52 =	vand.u32 $0xFF800000, v38  }
0xe6: {  	v39 =	vand.u32 $0xFF800000, v37;
	v36 =	vand.u32 $0xFF800000, v41;
	v35 =	vand.u32 $0xFF800000, v40  }
0xe7: {  	v38 =	vadd.s32 $0xFFFFFF81, v42;
	v25 =	vadd.s32 $0xFFFFFF81, v45;
	v40 =	vadd.s32 $0xFFFFFF81, v44  }
0xe8: {  	v43 =	vadd.s32 $0xFFFFFF81, v43;
	v42 =	vadd.s32 $0xFFFFFF81, v48;
	v41 =	vadd.s32 $0xFFFFFF81, v47  }
.Ltmp1:
0xe9: {  	v45 =	vsub.s32 $0x7F000000, v51;
	v55 =	vadd.s32 $0xFFFFFF81, v46;
	v48 =	vadd.s32 $0xFFFFFF81, v49;
	(pc) =	sbr.rel @p0 .LBB2_5-.Ltmp1, $4  }
0xea: {  	v37 =	vcvt.s32.f32 v25;
	v46 =	vsub.s32 $0x7F000000, v50;
	v25 =	vcvt.s32.f32 v38  }
0xeb: {  	v47 =	vsub.s32 $0x7F000000, v54;
	v38 =	vcvt.s32.f32 v43;
	v43 =	vcvt.s32.f32 v40  }
0xec: {  	v41 =	vcvt.s32.f32 v41;
	v44 =	vcvt.s32.f32 v42;
	v49 =	vsub.s32 $0x7F000000, v53  }
0xed: {  	s18 =	sadd.s32 $0x8, s18;
	v42 =	vcvt.s32.f32 v55;
	v40 =	vcvt.s32.f32 v48;
	v48 =	vsub.s32 $0x7F000000, v52  }
0xee: {  	v32 =	vmul.f32 v46, v32;
	v59 =	vmul.f32 v45, v28  }
0xef: {  	v22 =	vsub.s32 $0x7F000000, v39;
	v33 =	vmul.f32 v49, v33;
	v34 =	vmul.f32 v47, v34  }
0xf0: {  	v60 =	vsub.s32 $0x7F000000, v35;
	v29 =	vmul.f32 v48, v29;
	v28 =	vmul.f32 $6.931471820e-01, v43  }
0xf1: {  	v62 =	vsub.s32 $0x7F000000, v36;
	v36 =	vmul.f32 $6.931471820e-01, v44;
	v61 =	vmul.f32 v22, v27  }
0xf2: {  	v30 =	vmul.f32 v60, v30;
	v31 =	vmul.f32 v62, v31  }
0xf3: {  	v22 =	vmul.f32 $6.931471820e-01, v37;
	v37 =	vmul.f32 $6.931471820e-01, v38  }
0xf4: {  	v38 =	vmul.f32 $6.931471820e-01, v41;
	v39 =	vmul.f32 $6.931471820e-01, v42;
	v32 =	vadd.f32 $-1.000000000e+00, v32  }
0xf5: {  	v40 =	vmul.f32 $6.931471820e-01, v40;
	v27 =	vadd.f32 $-1.000000000e+00, v59;
	v33 =	vadd.f32 $-1.000000000e+00, v33  }
0xf6: {  	v34 =	vadd.f32 $-1.000000000e+00, v34;
	v29 =	vadd.f32 $-1.000000000e+00, v29;
	v41 =	vmul.f32 v32, v32  }
0xf7: {  	v42 =	vmul.f32 v27, v27;
	v43 =	vmul.f32 v33, v33  }
0xf8: {  	v35 =	vadd.f32 $-1.000000000e+00, v61;
	v44 =	vmul.f32 v34, v34;
	v46 =	vmul.f32 v29, v29  }
0xf9: {  	v30 =	vadd.f32 $-1.000000000e+00, v30;
	v61 =	vmul.f32 $1.457853620e-01, v32;
	v50 =	vmul.f32 $1.457853620e-01, v27  }
0xfa: {  	v31 =	vadd.f32 $-1.000000000e+00, v31;
	v51 =	vmul.f32 $1.457853620e-01, v34;
	v52 =	vmul.f32 $1.457853620e-01, v33  }
0xfb: {  	v54 =	vmul.f32 $1.457853620e-01, v29;
	v45 =	vmul.f32 v35, v35  }
0xfc: {  	v26 =	vsub.f32 v26, v4;
	v63 =	vmul.f32 v30, v30;
	v60 =	vmul.f32 v31, v31  }
0xfd: {  	v53 =	vmul.f32 $1.457853620e-01, v30;
	v50 =	vsub.f32 $2.155584690e-01, v50;
	v51 =	vsub.f32 $2.155584690e-01, v51  }
0xfe: {  	v55 =	vmul.f32 $1.457853620e-01, v31;
	v49 =	vsub.f32 $2.155584690e-01, v61;
	v52 =	vsub.f32 $2.155584690e-01, v52  }
0xff: {  	v56 =	vmul.f32 $1.457853620e-01, v35;
	v54 =	vsub.f32 $2.155584690e-01, v54;
	v53 =	vsub.f32 $2.155584690e-01, v53  }
0x100: {  	v55 =	vsub.f32 $2.155584690e-01, v55;
	v49 =	vmul.f32 v49, v32;
	v50 =	vmul.f32 v50, v27  }
0x101: {  	v56 =	vsub.f32 $2.155584690e-01, v56;
	v51 =	vmul.f32 v51, v34;
	v52 =	vmul.f32 v52, v33  }
0x102: {  	v54 =	vmul.f32 v54, v29;
	v53 =	vmul.f32 v53, v30;
	v50 =	vadd.f32 $-2.522938550e-01, v50  }
0x103: {  	v55 =	vmul.f32 v55, v31;
	v51 =	vadd.f32 $-2.522938550e-01, v51;
	v49 =	vadd.f32 $-2.522938550e-01, v49  }
0x104: {  	v56 =	vmul.f32 v56, v35;
	v52 =	vadd.f32 $-2.522938550e-01, v52;
	v53 =	vadd.f32 $-2.522938550e-01, v53  }
0x105: {  	v55 =	vadd.f32 $-2.522938550e-01, v55;
	v49 =	vmul.f32 v49, v32;
	v50 =	vmul.f32 v50, v27  }
0x106: {  	v54 =	vadd.f32 $-2.522938550e-01, v54;
	v51 =	vmul.f32 v51, v34;
	v53 =	vmul.f32 v53, v30  }
0x107: {  	v56 =	vadd.f32 $-2.522938550e-01, v56;
	v52 =	vmul.f32 v52, v33;
	v55 =	vmul.f32 v55, v31  }
0x108: {  	v54 =	vmul.f32 v54, v29;
	v49 =	vadd.f32 $3.329927030e-01, v49;
	v53 =	vadd.f32 $3.329927030e-01, v53  }
0x109: {  	v56 =	vmul.f32 v56, v35;
	v50 =	vadd.f32 $3.329927030e-01, v50;
	v55 =	vadd.f32 $3.329927030e-01, v55  }
0x10a: {  	v54 =	vadd.f32 $3.329927030e-01, v54;
	v51 =	vadd.f32 $3.329927030e-01, v51;
	v53 =	vmul.f32 v53, v30  }
0x10b: {  	v52 =	vadd.f32 $3.329927030e-01, v52;
	v56 =	vadd.f32 $3.329927030e-01, v56;
	v55 =	vmul.f32 v55, v31  }
0x10c: {  	v49 =	vmul.f32 v49, v32;
	v50 =	vmul.f32 v50, v27;
	v53 =	vadd.f32 $-4.999788110e-01, v53  }
0x10d: {  	v54 =	vmul.f32 v54, v29;
	v51 =	vmul.f32 v51, v34;
	v62 =	vadd.f32 $-4.999788110e-01, v55  }
0x10e: {  	v47 =	vmul.f32 v53, v63;
	v63 =	vmul.f32 v56, v35;
	v56 =	vadd.s32 $0x4AFB0D, v6  }
0x10f: {  	v52 =	vmul.f32 v52, v33;
	v59 =	vmul.f32 v62, v60;
	v60 =	vand.u32 $0xFF800000, v56  }
0x110: {  	v54 =	vadd.f32 $-4.999788110e-01, v54;
	v50 =	vadd.f32 $-4.999788110e-01, v50;
	v48 =	vsub.s32 $0x7F000000, v60  }
0x111: {  	v53 =	vadd.f32 $-4.999788110e-01, v52;
	v30 =	vadd.f32 v47, v30;
	v62 =	vmul.f32 v48, v6  }
0x112: {  	v52 =	vmul.f32 v50, v42;
	v61 =	vadd.f32 $-4.999788110e-01, v63;
	v31 =	vadd.f32 v59, v31  }
0x113: {  	v59 =	vmul.f32 v53, v43;
	v48 =	vmul.f32 v54, v46;
	v6 =	vadd.f32 $-1.000000000e+00, v62  }
0x114: {  	v54 =	vadd.f32 $-4.999788110e-01, v49;
	v30 =	vadd.f32 v30, v40;
	v63 =	vmul.f32 v61, v45  }
0x115: {  	v55 =	vadd.f32 v31, v39;
	v45 =	vmul.f32 $1.280000000e+02, v4;
	v58 =	vmul.f32 $-1.457853620e-01, v6  }
0x116: {  	v17 =	vld.idx.msk [tilespmem:v17+s12+$0x0], $0xffff;
	v29 =	vadd.f32 v48, v29;
	v47 =	vmul.f32 v54, v41;
	v20 =	vmul.f32 v30, v20  }
0x117: {  	v21 =	vld.idx.msk [tilespmem:v21+s12+$0x0], $0xffff;
	v57 =	vadd.f32 v63, v35;
	v61 =	vmul.f32 v55, v24;
	v63 =	vadd.f32 $2.155584690e-01, v58  }
0x118: {  	v60 =	vadd.f32 $-4.999788110e-01, v51;
	v48 =	vmul.f32 v4, v45;
	v4 =	vmul.f32 $-1.625600000e+04, v4  }
0x119: {  	v55 =	vmul.f32 $6.931471820e-01, v25;
	v29 =	vadd.f32 v29, v36;
	v40 =	vmul.f32 v63, v6  }
0x11a: {  	v16 =	vld.idx.msk [tilespmem:v16+s12+$0x0], $0xffff;
	v36 =	vadd.f32 v59, v33;
	v51 =	vadd.f32 v47, v32;
	v59 =	vmul.f32 v26, v26  }
0x11b: {  	v17 =	vmul.f32 v20, v17;
	v62 =	vadd.f32 v57, v38;
	v20 =	vadd.f32 $-2.522938550e-01, v40  }
0x11c: {  	v38 =	vmul.f32 v60, v44;
	v39 =	vmul.f32 v61, v21;
	v4 =	vadd.f32 v4, v48  }
0x11d: {  	v14 =	vld.idx.msk [tilespmem:v14+s12+$0x0], $0xffff;
	v13 =	vadd.f32 v17, v13;
	v43 =	vmul.f32 v62, v23;
	v20 =	vmul.f32 v20, v6  }
0x11e: {  	v44 =	vadd.f32 v36, v37;
	v19 =	vmul.f32 v29, v19;
	v54 =	vadd.f32 v51, v22  }
0x11f: {  	v11 =	vld.idx.msk [tilespmem:v11+s12+$0x0], $0xffff;
	v13 =	vadd.f32 v39, v13;
	v16 =	vmul.f32 v43, v16;
	v53 =	vadd.f32 $3.329927030e-01, v20  }
0x120: {  	v58 =	vmul.f32 v6, v6;
	v46 =	vadd.f32 v38, v34;
	v4 =	vadd.f32 $6.908800000e+05, v4  }
0x121: {  	v8 =	vld.idx.msk [tilespmem:v8+s12+$0x0], $0xffff;
	v17 =	vadd.f32 v52, v27;
	v13 =	vadd.f32 v16, v13;
	v16 =	vmul.f32 v53, v6  }
0x122: {  	v14 =	vmul.f32 v19, v14;
	v18 =	vmul.f32 v44, v18;
	v49 =	vadd.f32 v46, v28  }
0x123: {  	v7 =	vld.idx.msk [tilespmem:v7+s12+$0x0], $0xffff;
	(erf) = vrcp.f32 v4;
	v4 =	vshrl.u32 v56, $0x17;
	v57 =	vadd.f32 $-4.999788110e-01, v16  }
0x124: {  	v11 =	vmul.f32 v18, v11;
	v4 =	vadd.s32 $0xFFFFFF81, v4;
	v15 =	vmul.f32 v49, v15  }
0x125: {  	v4 =	vcvt.s32.f32 v4;
	v13 =	vadd.f32 v14, v13;
	v14 =	vmul.f32 v57, v58  }
0x126: {  	v5 =	vld.idx.msk [tilespmem:v5+s12+$0x0], $0xffff;
	v12 =	vmul.f32 v54, v12;
	v17 =	vadd.f32 v17, v55;
	v8 =	vmul.f32 v15, v8  }
0x127: {  	v4 =	vmul.f32 $6.931471820e-01, v4;
	v11 =	vadd.f32 v11, v13;
	v6 =	vadd.f32 v14, v6  }
0x128: {  	v7 =	vmul.f32 v12, v7  }
0x129: {  	v60 =	vmul.f32 v17, v59;
	v8 =	vadd.f32 v8, v11;
	v4 =	vadd.f32 v6, v4;
	_ =	sdelay $0x1  }
0x12a: {  	s16 =	sadd.s32 $0x1, s16;
	v5 =	vmul.f32 v60, v5;
	v61 =	vadd.f32 v7, v8;
	v4 =	vsub.f32 v9, v4  }
0x12b: {  	p0 =	sne.s32 s16, $0x5;
	v62 =	vpop (erf)  }
.Ltmp2:
0x12c: {  	v63 =	vmul.f32 $1.270000000e+02, v62;
	v5 =	vadd.f32 v5, v61;
	v4 =	vmul.f32 v4, v10;
	(pc) =	sbr.rel @p0 .LBB2_2-.Ltmp2, $3  }
0x12d: {  	_ = 	snop  }
0x12e: {  	v2 =	vadd.f32 v4, v2;
	v4 =	vmul.f32 v5, v63;
	_ =	sdelay $0x1  }
0x12f: {  	v2 =	vadd.f32 v4, v2  }
0x130: {  	_ =	swait.ge [sflag:s13], $0x2800  }
0x131: {  	[sflag:s13] =	ssyncset.done $0x0  }
0x132: {  	s16 =	simm.s32 $0x5;
	[sflag:s13] =	ssyncadd.s32 $0xFFFFD800  }
.LBB2_8:
0x133: {  	s17 =	sshll.u32 s16, $0x4  }
0x134: {  	s18 =	simm.s32 $0x0;
	v3 =	vmov s17  }
0x135: {  	v5 =	vadd.s32 s18, v0;
	v3 =	vshll.u32 v3, $0x7  }
0x136: {  	s29 =	simm.s32 $0x1;
	v4 =	vor.u32 v1, v3;
	v3 =	vand.u32 $0x7F, v5  }
0x137: {  	s30 =	simm.s32 $0x2;
	v5 =	vadd.s32 s29, v0;
	v3 =	vor.u32 v4, v3  }
0x138: {  	v6 =	vadd.s32 s30, v0;
	v5 =	vand.u32 $0x7F, v5  }
0x139: {  	v6 =	vand.u32 $0x7F, v6;
	v5 =	vor.u32 v4, v5  }
0x13a: {  	s31 =	simm.s32 $0x3;
	v6 =	vor.u32 v4, v6  }
0x13b: {  	s19 =	simm.s32 $0x4;
	v7 =	vadd.s32 s31, v0  }
0x13c: {  	v8 =	vadd.s32 s19, v0;
	v7 =	vand.u32 $0x7F, v7;
	v3 =	vld.idx.msk [tilespmem:v3+s3+$0x0], $0xffff  }
0x13d: {  	v8 =	vand.u32 $0x7F, v8;
	v7 =	vor.u32 v4, v7  }
0x13e: {  	s20 =	simm.s32 $0x5;
	v8 =	vor.u32 v4, v8;
	v5 =	vld.idx.msk [tilespmem:v5+s3+$0x0], $0xffff  }
0x13f: {  	s21 =	simm.s32 $0x6;
	v9 =	vadd.s32 s20, v0;
	v6 =	vld.idx.msk [tilespmem:v6+s3+$0x0], $0xffff  }
0x140: {  	v10 =	vadd.s32 s21, v0;
	v9 =	vand.u32 $0x7F, v9  }
0x141: {  	v10 =	vand.u32 $0x7F, v10;
	v9 =	vor.u32 v4, v9;
	v3 =	vmul.f32 $1.442695020e+00, v3  }
0x142: {  	s22 =	simm.s32 $0x7;
	v10 =	vor.u32 v4, v10;
	v7 =	vld.idx.msk [tilespmem:v7+s3+$0x0], $0xffff  }
0x143: {  	s19 =	simm.s32 $0x8;
	v11 =	vadd.s32 s22, v0;
	v8 =	vld.idx.msk [tilespmem:v8+s3+$0x0], $0xffff;
	v5 =	vmul.f32 $1.442695020e+00, v5;
	(erf) = vpow2.f32 v3  }
0x144: {  	v12 =	vadd.s32 s19, v0;
	v6 =	vmul.f32 $1.442695020e+00, v6;
	v3 =	vand.u32 $0x7F, v11  }
0x145: {  	s23 =	simm.s32 $0x9;
	s26 =	simm.s32 $0xC;
	v11 =	vand.u32 $0x7F, v12;
	v3 =	vor.u32 v4, v3;
	(erf) = vpow2.f32 v5  }
0x146: {  	v13 =	vadd.s32 s26, v0;
	v12 =	vadd.s32 s23, v0;
	v5 =	vld.idx.msk [tilespmem:v9+s3+$0x0], $0xffff;
	v9 =	vor.u32 v4, v11  }
0x147: {  	s24 =	simm.s32 $0xA;
	v7 =	vmul.f32 $1.442695020e+00, v7;
	v11 =	vand.u32 $0x7F, v12;
	(erf) = vpow2.f32 v6;
	v6 =	vld.idx.msk [tilespmem:v10+s3+$0x0], $0xffff  }
0x148: {  	s25 =	simm.s32 $0xB;
	v8 =	vmul.f32 $1.442695020e+00, v8;
	v12 =	vadd.s32 s24, v0;
	v10 =	vor.u32 v4, v11  }
0x149: {  	v11 =	vand.u32 $0x7F, v12;
	v12 =	vadd.s32 s25, v0;
	(erf) = vpow2.f32 v7  }
0x14a: {  	s28 =	simm.s32 $0xD;
	v11 =	vor.u32 v4, v11;
	v12 =	vand.u32 $0x7F, v12;
	(erf) = vpow2.f32 v8;
	v3 =	vld.idx.msk [tilespmem:v3+s3+$0x0], $0xffff  }
0x14b: {  	v5 =	vmul.f32 $1.442695020e+00, v5;
	v8 =	vld.idx.msk [tilespmem:v9+s3+$0x0], $0xffff;
	v9 =	vand.u32 $0x7F, v13;
	v13 =	vadd.s32 s28, v0  }
0x14c: {  	v7 =	vimm.f32 $0.0e+00;
	v12 =	vor.u32 v4, v12;
	v6 =	vmul.f32 $1.442695020e+00, v6;
	v14 =	vpop (erf)  }
0x14d: {  	s29 =	simm.s32 $0xE;
	v16 =	vor.u32 v4, v9;
	(erf) = vpow2.f32 v5;
	v7 =	vadd.f32 v14, v7  }
0x14e: {  	v15 =	vld.idx.msk [tilespmem:v10+s3+$0x0], $0xffff;
	v10 =	vadd.s32 s29, v0;
	v5 =	vand.u32 $0x7F, v13;
	v13 =	vpop (erf);
	(erf) = vpow2.f32 v6  }
0x14f: {  	s30 =	simm.s32 $0xF;
	v9 =	vld [tilespmem:s17+$0x5000];
	s17 =	simm.s32 $0x5380;
	v5 =	vor.u32 v4, v5;
	v3 =	vmul.f32 $1.442695020e+00, v3;
	v7 =	vadd.f32 v13, v7  }
0x150: {  	s18 =	simm.s32 $0x10;
	v6 =	vand.u32 $0x7F, v10;
	v10 =	vadd.s32 s30, v0;
	[tilespmem:s17+$0xFFFFFE00] =	vst v14;
	v17 =	vpop (erf);
	v14 =	vmul.f32 $1.442695020e+00, v8;
	v8 =	vld.idx.msk [tilespmem:v11+s3+$0x0], $0xffff  }
0x151: {  	(erf) = vpow2.f32 v3;
	v3 =	vadd.s32 s18, v0;
	v18 =	vadd.f32 v17, v7  }
0x152: {  	[tilespmem:s17+$0xFFFFFE80] =	vst v13;
	v11 =	vand.u32 $0x7F, v10;
	v10 =	vld.idx.msk [tilespmem:v12+s3+$0x0], $0xffff;
	v19 =	vpop (erf);
	v7 =	vor.u32 v4, v6  }
0x153: {  	s31 =	simm.s32 $0x11;
	[tilespmem:s17+$0xFFFFFF00] =	vst v17;
	v12 =	vmul.f32 $1.442695020e+00, v15;
	(erf) = vpow2.f32 v14;
	v13 =	vadd.f32 v19, v18  }
0x154: {  	s19 =	simm.s32 $0x18;
	v15 =	vadd.s32 s31, v0;
	v11 =	vor.u32 v4, v11;
	[tilespmem:s17+$0xFFFFFF80] =	vst v19;
	v6 =	vld.idx.msk [tilespmem:v16+s3+$0x0], $0xffff;
	v14 =	vand.u32 $0x7F, v3;
	v3 =	vpop (erf)  }
.LBB2_9:
0x155: {  	p0 =	slt.u32 s19, $0x78;
	s20 =	sadd.s32 $0x2, s18;
	v8 =	vmul.f32 $1.442695020e+00, v8;
	v5 =	vld.idx.msk [tilespmem:v5+s3+$0x0], $0xffff;
	(erf) = vpow2.f32 v12;
	[tilespmem:s17+$0x0] =	vst v3;
	v3 =	vadd.f32 v3, v13  }
0x156: {  	v12 =	vor.u32 v4, v14;
	v13 =	vand.u32 $0x7F, v15;
	v14 =	vadd.s32 s20, v0;
	v15 =	vpop (erf)  }
0x157: {  	s20 =	sadd.s32 $0x3, s18;
	v10 =	vmul.f32 $1.442695020e+00, v10;
	v7 =	vld.idx.msk [tilespmem:v7+s3+$0x0], $0xffff;
	(erf) = vpow2.f32 v8;
	[tilespmem:s17+$0x80] =	vst v15;
	v3 =	vadd.f32 v15, v3  }
0x158: {  	v8 =	vor.u32 v4, v13;
	v13 =	vand.u32 $0x7F, v14;
	v14 =	vadd.s32 s20, v0;
	v15 =	vpop (erf)  }
0x159: {  	s20 =	sadd.s32 $0x4, s18;
	v6 =	vmul.f32 $1.442695020e+00, v6;
	v11 =	vld.idx.msk [tilespmem:v11+s3+$0x0], $0xffff;
	(erf) = vpow2.f32 v10;
	[tilespmem:s17+$0x100] =	vst v15;
	v3 =	vadd.f32 v15, v3  }
0x15a: {  	v10 =	vor.u32 v4, v13;
	v13 =	vand.u32 $0x7F, v14;
	v14 =	vadd.s32 s20, v0;
	v15 =	vpop (erf)  }
0x15b: {  	s20 =	sadd.s32 $0x5, s18;
	v5 =	vmul.f32 $1.442695020e+00, v5;
	v12 =	vld.idx.msk [tilespmem:v12+s3+$0x0], $0xffff;
	(erf) = vpow2.f32 v6;
	[tilespmem:s17+$0x180] =	vst v15;
	v3 =	vadd.f32 v15, v3  }
0x15c: {  	v6 =	vor.u32 v4, v13;
	v13 =	vand.u32 $0x7F, v14;
	v14 =	vadd.s32 s20, v0;
	s17 =	sadd.s32 $0x400, s17;
	v15 =	vpop (erf)  }
0x15d: {  	s20 =	sadd.s32 $0x6, s18;
	v7 =	vmul.f32 $1.442695020e+00, v7;
	v16 =	vld.idx.msk [tilespmem:v8+s3+$0x0], $0xffff;
	[tilespmem:s17+$0xFFFFFE00] =	vst v15;
	v3 =	vadd.f32 v15, v3;
	(erf) = vpow2.f32 v5  }
0x15e: {  	v13 =	vor.u32 v4, v13;
	v5 =	vand.u32 $0x7F, v14;
	v14 =	vadd.s32 s20, v0;
	v15 =	vpop (erf)  }
0x15f: {  	s20 =	sadd.s32 $0x7, s18;
	s18 =	smov.u32 s19;
	v11 =	vmul.f32 $1.442695020e+00, v11;
	v8 =	vld.idx.msk [tilespmem:v10+s3+$0x0], $0xffff;
	[tilespmem:s17+$0xFFFFFE80] =	vst v15;
	v3 =	vadd.f32 v15, v3;
	(erf) = vpow2.f32 v7  }
.Ltmp3:
0x160: {  	v5 =	vor.u32 v4, v5;
	v19 =	vadd.s32 s20, v0;
	v7 =	vand.u32 $0x7F, v14;
	v15 =	vpop (erf);
	(pc) =	sbr.rel @p0 .LBB2_9-.Ltmp3, $4  }
0x161: {  	v17 =	vmul.f32 $1.442695020e+00, v12;
	v10 =	vld.idx.msk [tilespmem:v6+s3+$0x0], $0xffff;
	[tilespmem:s17+$0xFFFFFF00] =	vst v15;
	v20 =	vadd.f32 v15, v3;
	(erf) = vpow2.f32 v11  }
0x162: {  	v18 =	vand.u32 $0x7F, v19;
	v7 =	vor.u32 v4, v7;
	v11 =	vadd.s32 s19, v0;
	v14 =	vpop (erf)  }
0x163: {  	s20 =	sadd.s32 $0x1, s19;
	v12 =	vmul.f32 $1.442695020e+00, v16;
	v6 =	vld.idx.msk [tilespmem:v13+s3+$0x0], $0xffff;
	(erf) = vpow2.f32 v17;
	[tilespmem:s17+$0xFFFFFF80] =	vst v14;
	v13 =	vadd.f32 v14, v20  }
0x164: {  	v15 =	vadd.s32 s20, v0;
	s19 =	sadd.s32 $0x8, s19;
	v14 =	vand.u32 $0x7F, v11;
	v11 =	vor.u32 v4, v18;
	v3 =	vpop (erf)  }
0x165: {  	_ =	sdelay $0x3  }
0x166: {  	s19 =	sadd.s32 $0x2, s18;
	v8 =	vmul.f32 $1.442695020e+00, v8;
	(erf) = vpow2.f32 v12;
	v12 =	vadd.f32 v3, v13;
	v5 =	vld.idx.msk [tilespmem:v5+s3+$0x0], $0xffff  }
0x167: {  	v13 =	vor.u32 v4, v14;
	v14 =	vand.u32 $0x7F, v15;
	v7 =	vld.idx.msk [tilespmem:v7+s3+$0x0], $0xffff;
	v15 =	vadd.s32 s19, v0;
	v16 =	vpop (erf)  }
0x168: {  	s30 =	sadd.s32 $0x3, s18;
	v10 =	vmul.f32 $1.442695020e+00, v10;
	(erf) = vpow2.f32 v8;
	v8 =	vadd.f32 v16, v12  }
0x169: {  	v12 =	vor.u32 v4, v14;
	v14 =	vand.u32 $0x7F, v15;
	v15 =	vadd.s32 s30, v0  }
0x16a: {  	v17 =	vpop (erf);
	v6 =	vmul.f32 $1.442695020e+00, v6;
	(erf) = vpow2.f32 v10;
	v10 =	vld.idx.msk [tilespmem:v11+s3+$0x0], $0xffff;
	v11 =	vor.u32 v4, v14  }
0x16b: {  	s31 =	sadd.s32 $0x4, s18;
	v14 =	vand.u32 $0x7F, v15;
	v8 =	vadd.f32 v17, v8;
	v5 =	vmul.f32 $1.442695020e+00, v5  }
0x16c: {  	v15 =	vadd.s32 s31, v0;
	v18 =	vpop (erf);
	(erf) = vpow2.f32 v6;
	v7 =	vmul.f32 $1.442695020e+00, v7  }
0x16d: {  	s20 =	sadd.s32 $0x5, s18;
	v6 =	vadd.f32 v18, v8;
	v8 =	vld.idx.msk [tilespmem:v13+s3+$0x0], $0xffff;
	v13 =	vor.u32 v4, v14;
	v14 =	vand.u32 $0x7F, v15  }
0x16e: {  	s21 =	sadd.s32 $0x6, s18;
	v15 =	vadd.s32 s20, v0;
	v19 =	vpop (erf);
	(erf) = vpow2.f32 v5;
	v5 =	vld.idx.msk [tilespmem:v12+s3+$0x0], $0xffff;
	v12 =	vor.u32 v4, v14  }
0x16f: {  	v14 =	vand.u32 $0x7F, v15;
	v15 =	vadd.s32 s21, v0;
	v6 =	vadd.f32 v19, v6  }
0x170: {  	s22 =	sadd.s32 $0x7, s18;
	v10 =	vmul.f32 $1.442695020e+00, v10;
	v20 =	vpop (erf);
	(erf) = vpow2.f32 v7;
	v7 =	vld.idx.msk [tilespmem:v11+s3+$0x0], $0xffff;
	v11 =	vor.u32 v4, v14  }
0x171: {  	v14 =	vand.u32 $0x7F, v15;
	v15 =	vadd.s32 s22, v0;
	v6 =	vadd.f32 v20, v6  }
0x172: {  	v21 =	vpop (erf);
	v8 =	vmul.f32 $1.442695020e+00, v8;
	(erf) = vpow2.f32 v10  }
0x173: {  	v10 =	vld.idx.msk [tilespmem:v13+s3+$0x0], $0xffff;
	v13 =	vor.u32 v4, v14;
	v14 =	vand.u32 $0x7F, v15;
	v6 =	vadd.f32 v21, v6  }
0x174: {  	v15 =	vpop (erf)  }
0x175: {  	v5 =	vmul.f32 $1.442695020e+00, v5;
	(erf) = vpow2.f32 v8;
	v6 =	vadd.f32 v15, v6  }
0x176: {  	v8 =	vld.idx.msk [tilespmem:v12+s3+$0x0], $0xffff;
	v12 =	vor.u32 v4, v14;
	v14 =	vpop (erf)  }
0x177: {  	v7 =	vmul.f32 $1.442695020e+00, v7;
	(erf) = vpow2.f32 v5;
	v5 =	vadd.f32 v14, v6;
	v6 =	vld.idx.msk [tilespmem:v11+s3+$0x0], $0xffff  }
0x178: {  	v11 =	vpop (erf)  }
0x179: {  	v10 =	vmul.f32 $1.442695020e+00, v10;
	(erf) = vpow2.f32 v7;
	v7 =	vld.idx.msk [tilespmem:v13+s3+$0x0], $0xffff;
	v5 =	vadd.f32 v11, v5  }
0x17a: {  	v13 =	vpop (erf)  }
0x17b: {  	v8 =	vmul.f32 $1.442695020e+00, v8;
	(erf) = vpow2.f32 v10;
	v10 =	vld.idx.msk [tilespmem:v12+s3+$0x0], $0xffff;
	v5 =	vadd.f32 v13, v5  }
0x17c: {  	[tilespmem:s17+$0x0] =	vst v3;
	v12 =	vpop (erf);
	v3 =	vmul.f32 $1.442695020e+00, v6  }
0x17d: {  	(erf) = vpow2.f32 v8;
	v5 =	vadd.f32 v12, v5  }
0x17e: {  	[tilespmem:s17+$0x80] =	vst v16;
	v7 =	vmul.f32 $1.442695020e+00, v7;
	v6 =	vpop (erf)  }
0x17f: {  	[tilespmem:s17+$0x100] =	vst v17;
	(erf) = vpow2.f32 v3;
	v5 =	vadd.f32 v6, v5  }
0x180: {  	s23 =	sadd.s32 $0x400, s17;
	[tilespmem:s17+$0x180] =	vst v18;
	v8 =	vmul.f32 $1.442695020e+00, v10;
	v3 =	vpop (erf)  }
0x181: {  	[tilespmem:s23+$0xFFFFFE00] =	vst v19;
	(erf) = vpow2.f32 v7;
	v5 =	vadd.f32 v3, v5  }
0x182: {  	[tilespmem:s23+$0xFFFFFE80] =	vst v20;
	v7 =	vpop (erf)  }
0x183: {  	[tilespmem:s23+$0xFFFFFF00] =	vst v21;
	(erf) = vpow2.f32 v8;
	v5 =	vadd.f32 v7, v5  }
0x184: {  	[tilespmem:s23+$0xFFFFFF80] =	vst v15;
	v8 =	vpop (erf)  }
0x185: {  	[tilespmem:s23+$0x0] =	vst v14;
	v5 =	vadd.f32 v8, v5  }
0x186: {  	[tilespmem:s23+$0x80] =	vst v11;
	v10 =	vpop (erf)  }
0x187: {  	[tilespmem:s23+$0x100] =	vst v13;
	v5 =	vadd.f32 v10, v5  }
0x188: {  	s17 =	sadd.s32 $0x400, s23;
	[tilespmem:s23+$0x180] =	vst v12;
	v11 =	vpop (erf)  }
0x189: {  	[tilespmem:s17+$0xFFFFFE00] =	vst v6;
	v5 =	vadd.f32 v11, v5  }
0x18a: {  	[tilespmem:s17+$0xFFFFFE80] =	vst v3;
	v6 =	vpop (erf)  }
0x18b: {  	s30 =	simm.s32 $0x1;
	[tilespmem:s17+$0xFFFFFF00] =	vst v7;
	v3 =	vadd.f32 v6, v5  }
0x18c: {  	v18 =	vadd.s32 s30, v0;
	[tilespmem:s17+$0xFFFFFF80] =	vst v8;
	v7 =	vpop (erf)  }
0x18d: {  	s31 =	simm.s32 $0x2;
	v20 =	vand.u32 $0x7F, v18;
	[tilespmem:s17+$0x0] =	vst v10;
	v5 =	vadd.f32 v7, v3  }
0x18e: {  	s28 =	simm.s32 $0x3;
	v32 =	vcvt.s32.f32 v20;
	v15 =	vadd.s32 s31, v0;
	[tilespmem:s17+$0x80] =	vst v11  }
0x18f: {  	s26 =	simm.s32 $0x4;
	v15 =	vand.u32 $0x7F, v15;
	v14 =	vadd.s32 s28, v0;
	[tilespmem:s17+$0x100] =	vst v6;
	(erf) = vrcp.f32 v5  }
0x190: {  	s24 =	simm.s32 $0x7;
	s25 =	simm.s32 $0x6;
	v13 =	vadd.s32 s26, v0;
	v8 =	vand.u32 $0x7F, v9;
	v6 =	vand.u32 $0xFFFFFF80, v9;
	[tilespmem:s17+$0x180] =	vst v7;
	s17 =	simm.s32 $0x5380  }
0x191: {  	s29 =	simm.s32 $0x0;
	v10 =	vadd.s32 s24, v0;
	v11 =	vadd.s32 s25, v0;
	v4 =	vadd.s32 v4, v6;
	v17 =	vld [tilespmem:s17+$0x180]  }
0x192: {  	v22 =	vld [tilespmem:s17+$0x100];
	v6 =	vand.u32 $0x7F, v11;
	v8 =	vor.u32 v8, v4;
	v4 =	vadd.s32 s29, v0  }
0x193: {  	v23 =	vld [tilespmem:s17+$0x80];
	v3 =	vcvt.s32.f32 v9;
	v16 =	vand.u32 $0x7F, v4;
	v4 =	vand.u32 $0x7F, v10  }
0x194: {  	s20 =	simm.s32 $0x5;
	v11 =	vld [tilespmem:s17+$0x0];
	v10 =	vand.u32 $0x7F, v13;
	v13 =	vand.u32 $0x7F, v14;
	v19 =	vcvt.s32.f32 v16  }
0x195: {  	v18 =	vcvt.s32.f32 v15;
	v24 =	vld [tilespmem:s17+$0xFFFFFF80];
	v7 =	vadd.s32 s20, v0;
	v31 =	vcvt.s32.f32 v13  }
0x196: {  	v26 =	vcvt.s32.f32 v6;
	v7 =	vand.u32 $0x7F, v7;
	v14 =	vld [tilespmem:s17+$0xFFFFFF00];
	v19 =	vsub.f32 v19, v3  }
0x197: {  	v30 =	vld [tilespmem:s17+$0xFFFFFE00];
	v25 =	vcvt.s32.f32 v4;
	v28 =	vcvt.s32.f32 v10;
	v35 =	vsub.f32 v31, v3  }
0x198: {  	v12 =	vimm.f32 $0.0e+00;
	v27 =	vld [tilespmem:s17+$0xFFFFFE80];
	v29 =	vcvt.s32.f32 v7;
	v19 =	vmul.f32 v19, v19;
	v21 =	vpop (erf)  }
0x199: {  	v37 =	vsub.f32 v18, v3;
	v18 =	vmul.f32 v35, v35;
	v22 =	vmul.f32 v22, v21  }
0x19a: {  	v29 =	vsub.f32 v29, v3;
	v33 =	vmul.f32 v17, v21;
	v34 =	vmul.f32 v11, v21  }
0x19b: {  	v17 =	vsub.f32 v28, v3;
	v23 =	vmul.f32 v23, v21;
	v28 =	vmul.f32 v14, v21  }
0x19c: {  	v26 =	vsub.f32 v26, v3;
	v24 =	vmul.f32 v24, v21;
	v30 =	vmul.f32 v30, v21  }
0x19d: {  	v38 =	vsub.f32 v32, v3;
	v36 =	vmul.f32 v27, v21;
	v14 =	vmul.f32 v29, v29  }
0x19e: {  	v11 =	vmul.f32 v26, v26;
	v31 =	vsub.f32 $1.000000000e+00, v22;
	v27 =	vsub.f32 $1.000000000e+00, v33  }
0x19f: {  	v17 =	vmul.f32 v17, v17;
	v32 =	vsub.f32 $1.000000000e+00, v34;
	v33 =	vsub.f32 $1.000000000e+00, v23  }
0x1a0: {  	v26 =	vsub.f32 $1.000000000e+00, v28;
	v22 =	vmul.f32 v37, v37;
	v28 =	vsub.f32 $1.000000000e+00, v24  }
0x1a1: {  	v29 =	vsub.f32 $1.000000000e+00, v30;
	v30 =	vsub.f32 $1.000000000e+00, v36;
	v23 =	vmul.f32 v38, v38  }
0x1a2: {  	v24 =	vadd.s32 $0x4AFB0D, v33;
	v54 =	vadd.s32 $0x4AFB0D, v31;
	v55 =	vadd.s32 $0x4AFB0D, v27  }
0x1a3: {  	v56 =	vadd.s32 $0x4AFB0D, v26;
	v57 =	vadd.s32 $0x4AFB0D, v28;
	v58 =	vadd.s32 $0x4AFB0D, v32  }
0x1a4: {  	v39 =	vadd.s32 $0x4AFB0D, v29;
	v40 =	vadd.s32 $0x4AFB0D, v30;
	v41 =	vshrl.u32 v55, $0x17  }
0x1a5: {  	v42 =	vshrl.u32 v58, $0x17;
	v43 =	vshrl.u32 v24, $0x17;
	v44 =	vshrl.u32 v54, $0x17  }
0x1a6: {  	v45 =	vshrl.u32 v40, $0x17;
	v46 =	vshrl.u32 v56, $0x17;
	v47 =	vshrl.u32 v57, $0x17  }
0x1a7: {  	v48 =	vshrl.u32 v39, $0x17;
	v49 =	vand.u32 $0xFF800000, v54;
	v50 =	vand.u32 $0xFF800000, v55  }
0x1a8: {  	v51 =	vand.u32 $0xFF800000, v57;
	v52 =	vand.u32 $0xFF800000, v58;
	v53 =	vand.u32 $0xFF800000, v24  }
0x1a9: {  	v34 =	vand.u32 $0xFF800000, v39;
	v35 =	vand.u32 $0xFF800000, v40;
	v38 =	vand.u32 $0xFF800000, v56  }
0x1aa: {  	v59 =	vadd.s32 $0xFFFFFF81, v43;
	v24 =	vadd.s32 $0xFFFFFF81, v44;
	v60 =	vadd.s32 $0xFFFFFF81, v41  }
0x1ab: {  	v61 =	vadd.s32 $0xFFFFFF81, v46;
	v62 =	vadd.s32 $0xFFFFFF81, v47;
	v42 =	vadd.s32 $0xFFFFFF81, v42  }
0x1ac: {  	v63 =	vadd.s32 $0xFFFFFF81, v48;
	v54 =	vadd.s32 $0xFFFFFF81, v45;
	v44 =	vsub.s32 $0x7F000000, v50  }
0x1ad: {  	v45 =	vsub.s32 $0x7F000000, v49;
	v36 =	vcvt.s32.f32 v24;
	v24 =	vcvt.s32.f32 v60  }
0x1ae: {  	v46 =	vsub.s32 $0x7F000000, v53;
	v37 =	vcvt.s32.f32 v42;
	v42 =	vcvt.s32.f32 v59  }
0x1af: {  	v9 =	vld.idx.msk [tilespmem:v9+s12+$0x0], $0xffff;
	v48 =	vsub.s32 $0x7F000000, v52;
	v40 =	vcvt.s32.f32 v61;
	v43 =	vcvt.s32.f32 v62  }
0x1b0: {  	s18 =	simm.s32 $0x8;
	v8 =	vld.idx.msk [tilespmem:v8+s29+$0x0], $0xffff;
	v47 =	vsub.s32 $0x7F000000, v51;
	v39 =	vcvt.s32.f32 v63;
	v41 =	vcvt.s32.f32 v54  }
.LBB2_11:
0x1b1: {  	p0 =	slt.u32 s18, $0x78;
	v38 =	vsub.s32 $0x7F000000, v38;
	v31 =	vmul.f32 v45, v31;
	v44 =	vmul.f32 v44, v27  }
0x1b2: {  	v27 =	vsub.s32 $0x7F000000, v35;
	v45 =	vmul.f32 v48, v32;
	v46 =	vmul.f32 v46, v33  }
0x1b3: {  	v32 =	vsub.s32 $0x7F000000, v34;
	v28 =	vmul.f32 v47, v28;
	v48 =	vmul.f32 v38, v26  }
0x1b4: {  	v47 =	vmul.f32 v32, v29;
	v30 =	vmul.f32 v27, v30  }
0x1b5: {  	s19 =	sadd.s32 $0x7, s18;
	v33 =	vmul.f32 $6.931471820e-01, v42;
	v27 =	vadd.s32 s18, v0;
	v29 =	vmul.f32 $6.931471820e-01, v36  }
0x1b6: {  	v35 =	vmul.f32 $6.931471820e-01, v37;
	v26 =	vadd.s32 s19, v0;
	v38 =	vmul.f32 $6.931471820e-01, v43  }
0x1b7: {  	v40 =	vmul.f32 $6.931471820e-01, v40;
	v34 =	vadd.f32 $-1.000000000e+00, v31;
	v32 =	vadd.f32 $-1.000000000e+00, v44  }
0x1b8: {  	v42 =	vmul.f32 $6.931471820e-01, v41;
	v41 =	vadd.f32 $-1.000000000e+00, v45;
	v37 =	vadd.f32 $-1.000000000e+00, v46  }
0x1b9: {  	v43 =	vmul.f32 $6.931471820e-01, v39;
	v45 =	vadd.f32 $-1.000000000e+00, v28;
	v44 =	vadd.f32 $-1.000000000e+00, v48  }
0x1ba: {  	v46 =	vadd.f32 $-1.000000000e+00, v30;
	v39 =	vmul.f32 v34, v34;
	v36 =	vmul.f32 v32, v32  }
0x1bb: {  	s19 =	sadd.s32 $0x6, s18;
	v47 =	vadd.f32 $-1.000000000e+00, v47;
	v48 =	vmul.f32 v41, v41;
	v49 =	vmul.f32 v37, v37  }
0x1bc: {  	s20 =	sadd.s32 $0x5, s18;
	v28 =	vadd.s32 s19, v0;
	v51 =	vmul.f32 v45, v45;
	v50 =	vmul.f32 v44, v44  }
0x1bd: {  	s19 =	sadd.s32 $0x4, s18;
	v31 =	vadd.s32 s20, v0;
	v52 =	vmul.f32 v47, v47;
	v53 =	vmul.f32 v46, v46  }
0x1be: {  	v30 =	vadd.s32 s19, v0;
	v54 =	vmul.f32 $1.457853620e-01, v34;
	v55 =	vmul.f32 $1.457853620e-01, v32  }
0x1bf: {  	v25 =	vsub.f32 v25, v3;
	v56 =	vmul.f32 $1.457853620e-01, v41;
	v57 =	vmul.f32 $1.457853620e-01, v37  }
0x1c0: {  	v59 =	vmul.f32 $1.457853620e-01, v45;
	v58 =	vmul.f32 $1.457853620e-01, v47;
	v55 =	vsub.f32 $2.155584690e-01, v55  }
0x1c1: {  	v60 =	vmul.f32 $1.457853620e-01, v44;
	v57 =	vsub.f32 $2.155584690e-01, v57;
	v54 =	vsub.f32 $2.155584690e-01, v54  }
0x1c2: {  	v61 =	vmul.f32 $1.457853620e-01, v46;
	v56 =	vsub.f32 $2.155584690e-01, v56;
	v58 =	vsub.f32 $2.155584690e-01, v58  }
0x1c3: {  	v59 =	vsub.f32 $2.155584690e-01, v59;
	v54 =	vmul.f32 v54, v34;
	v55 =	vmul.f32 v55, v32  }
0x1c4: {  	v61 =	vsub.f32 $2.155584690e-01, v61;
	v57 =	vmul.f32 v57, v37;
	v58 =	vmul.f32 v58, v47  }
0x1c5: {  	v60 =	vsub.f32 $2.155584690e-01, v60;
	v59 =	vmul.f32 v59, v45;
	v56 =	vmul.f32 v56, v41  }
0x1c6: {  	v61 =	vmul.f32 v61, v46;
	v55 =	vadd.f32 $-2.522938550e-01, v55;
	v58 =	vadd.f32 $-2.522938550e-01, v58  }
0x1c7: {  	v60 =	vmul.f32 v60, v44;
	v57 =	vadd.f32 $-2.522938550e-01, v57;
	v54 =	vadd.f32 $-2.522938550e-01, v54  }
0x1c8: {  	v56 =	vadd.f32 $-2.522938550e-01, v56;
	v61 =	vadd.f32 $-2.522938550e-01, v61;
	v58 =	vmul.f32 v58, v47  }
0x1c9: {  	v60 =	vadd.f32 $-2.522938550e-01, v60;
	v54 =	vmul.f32 v54, v34;
	v55 =	vmul.f32 v55, v32  }
0x1ca: {  	v57 =	vmul.f32 v57, v37;
	v61 =	vmul.f32 v61, v46;
	v58 =	vadd.f32 $3.329927030e-01, v58  }
0x1cb: {  	v59 =	vadd.f32 $-2.522938550e-01, v59;
	v56 =	vmul.f32 v56, v41;
	v60 =	vmul.f32 v60, v44  }
0x1cc: {  	v55 =	vadd.f32 $3.329927030e-01, v55;
	v61 =	vadd.f32 $3.329927030e-01, v61;
	v58 =	vmul.f32 v58, v47  }
0x1cd: {  	v59 =	vmul.f32 v59, v45;
	v57 =	vadd.f32 $3.329927030e-01, v57;
	v54 =	vadd.f32 $3.329927030e-01, v54  }
0x1ce: {  	v60 =	vadd.f32 $3.329927030e-01, v60;
	v61 =	vmul.f32 v61, v46;
	v58 =	vadd.f32 $-4.999788110e-01, v58  }
0x1cf: {  	v59 =	vadd.f32 $3.329927030e-01, v59;
	v54 =	vmul.f32 v54, v34;
	v55 =	vmul.f32 v55, v32  }
0x1d0: {  	v60 =	vmul.f32 v60, v44;
	v52 =	vmul.f32 v58, v52;
	v58 =	vadd.f32 $-4.999788110e-01, v61  }
0x1d1: {  	v56 =	vadd.f32 $3.329927030e-01, v56;
	v59 =	vmul.f32 v59, v45;
	v57 =	vmul.f32 v57, v37  }
0x1d2: {  	v47 =	vadd.f32 v52, v47;
	v52 =	vmul.f32 v58, v53;
	v53 =	vadd.f32 $-4.999788110e-01, v60;
	v16 =	vld.idx.msk [tilespmem:v16+s12+$0x0], $0xffff  }
0x1d3: {  	v56 =	vmul.f32 v56, v41;
	v55 =	vadd.f32 $-4.999788110e-01, v55;
	v58 =	vadd.f32 $-4.999788110e-01, v59  }
0x1d4: {  	v43 =	vadd.f32 v47, v43;
	v46 =	vadd.f32 v52, v46;
	v47 =	vmul.f32 v53, v50;
	v20 =	vld.idx.msk [tilespmem:v20+s12+$0x0], $0xffff  }
0x1d5: {  	v50 =	vmul.f32 v58, v51;
	v51 =	vadd.f32 $-4.999788110e-01, v56;
	v52 =	vadd.f32 $-4.999788110e-01, v54  }
0x1d6: {  	v19 =	vmul.f32 v43, v19;
	v42 =	vadd.f32 v46, v42;
	v43 =	vadd.f32 v47, v44;
	v15 =	vld.idx.msk [tilespmem:v15+s12+$0x0], $0xffff  }
0x1d7: {  	v44 =	vadd.f32 v50, v45;
	v45 =	vmul.f32 v51, v48;
	v46 =	vadd.f32 $-4.999788110e-01, v57  }
0x1d8: {  	v16 =	vmul.f32 v19, v16;
	v19 =	vmul.f32 v42, v23;
	v23 =	vadd.f32 v43, v40;
	v13 =	vld.idx.msk [tilespmem:v13+s12+$0x0], $0xffff  }
0x1d9: {  	v38 =	vadd.f32 v44, v38;
	v40 =	vadd.f32 v45, v41;
	v41 =	vmul.f32 v46, v49  }
0x1da: {  	v12 =	vadd.f32 v16, v12;
	v16 =	vmul.f32 v19, v20;
	v19 =	vmul.f32 v23, v22;
	v10 =	vld.idx.msk [tilespmem:v10+s12+$0x0], $0xffff  }
0x1db: {  	v20 =	vadd.f32 v40, v35;
	v22 =	vadd.f32 v41, v37;
	v23 =	vmul.f32 v52, v39  }
0x1dc: {  	v12 =	vadd.f32 v16, v12;
	v15 =	vmul.f32 v19, v15;
	v16 =	vmul.f32 v38, v18;
	v7 =	vld.idx.msk [tilespmem:v7+s12+$0x0], $0xffff  }
0x1dd: {  	v18 =	vadd.f32 v22, v33;
	v19 =	vadd.f32 v23, v34;
	v22 =	vmul.f32 v55, v36  }
0x1de: {  	v12 =	vadd.f32 v15, v12;
	v13 =	vmul.f32 v16, v13;
	v15 =	vmul.f32 v20, v17;
	v6 =	vld.idx.msk [tilespmem:v6+s12+$0x0], $0xffff  }
0x1df: {  	v16 =	vadd.f32 v19, v29;
	v17 =	vadd.f32 v22, v32;
	v19 =	vmul.f32 $6.931471820e-01, v24  }
0x1e0: {  	s19 =	sadd.s32 $0x3, s18;
	v12 =	vadd.f32 v13, v12;
	v10 =	vmul.f32 v15, v10;
	v13 =	vmul.f32 v18, v14;
	v14 =	vld.idx.msk [tilespmem:v4+s12+$0x0], $0xffff  }
0x1e1: {  	v18 =	vadd.s32 s19, v0;
	v15 =	vmul.f32 v25, v25;
	v4 =	vadd.f32 v17, v19  }
0x1e2: {  	s17 =	sadd.s32 $0x400, s17;
	s20 =	sadd.s32 $0x2, s18;
	s19 =	sadd.s32 $0x1, s18;
	v11 =	vmul.f32 v16, v11;
	v10 =	vadd.f32 v10, v12;
	v7 =	vmul.f32 v13, v7  }
0x1e3: {  	v16 =	vand.u32 $0x7F, v27;
	v17 =	vadd.s32 s19, v0;
	v12 =	vadd.s32 s20, v0;
	v22 =	vld [tilespmem:s17+$0x180]  }
0x1e4: {  	v15 =	vmul.f32 v4, v15;
	v13 =	vadd.f32 v7, v10;
	v11 =	vmul.f32 v11, v6;
	v23 =	vld [tilespmem:s17+$0x100]  }
0x1e5: {  	v4 =	vand.u32 $0x7F, v26;
	v7 =	vand.u32 $0x7F, v31;
	v6 =	vand.u32 $0x7F, v28;
	v24 =	vld [tilespmem:s17+$0x80]  }
0x1e6: {  	v10 =	vand.u32 $0x7F, v30;
	v11 =	vadd.f32 v11, v13;
	v14 =	vmul.f32 v15, v14;
	v26 =	vld [tilespmem:s17+$0x0]  }
0x1e7: {  	v19 =	vcvt.s32.f32 v16;
	v15 =	vand.u32 $0x7F, v12;
	v13 =	vand.u32 $0x7F, v18;
	v18 =	vld [tilespmem:s17+$0xFFFFFF80]  }
0x1e8: {  	v25 =	vcvt.s32.f32 v4;
	v28 =	vcvt.s32.f32 v6;
	v12 =	vadd.f32 v14, v11;
	v27 =	vld [tilespmem:s17+$0xFFFFFF00]  }
0x1e9: {  	v29 =	vcvt.s32.f32 v10;
	v30 =	vcvt.s32.f32 v7;
	v11 =	vsub.f32 v19, v3;
	v14 =	vld [tilespmem:s17+$0xFFFFFE80]  }
0x1ea: {  	v20 =	vand.u32 $0x7F, v17;
	v17 =	vcvt.s32.f32 v15;
	v32 =	vcvt.s32.f32 v13;
	v31 =	vld [tilespmem:s17+$0xFFFFFE00]  }
0x1eb: {  	v28 =	vsub.f32 v28, v3;
	v19 =	vmul.f32 v11, v11;
	v11 =	vcvt.s32.f32 v20  }
0x1ec: {  	v30 =	vsub.f32 v30, v3;
	v22 =	vmul.f32 v22, v21;
	v23 =	vmul.f32 v23, v21  }
0x1ed: {  	v29 =	vsub.f32 v29, v3;
	v24 =	vmul.f32 v24, v21;
	v26 =	vmul.f32 v26, v21  }
0x1ee: {  	v35 =	vmul.f32 v18, v21;
	v18 =	vsub.f32 v32, v3;
	v34 =	vmul.f32 v27, v21  }
0x1ef: {  	v38 =	vsub.f32 v17, v3;
	v37 =	vmul.f32 v14, v21;
	v36 =	vmul.f32 v31, v21  }
0x1f0: {  	v39 =	vsub.f32 v11, v3;
	v11 =	vmul.f32 v28, v28;
	v14 =	vmul.f32 v30, v30  }
0x1f1: {  	v17 =	vmul.f32 v29, v29;
	v27 =	vsub.f32 $1.000000000e+00, v22;
	v31 =	vsub.f32 $1.000000000e+00, v23  }
0x1f2: {  	v33 =	vsub.f32 $1.000000000e+00, v24;
	v32 =	vsub.f32 $1.000000000e+00, v26;
	v18 =	vmul.f32 v18, v18  }
0x1f3: {  	v22 =	vmul.f32 v38, v38;
	v28 =	vsub.f32 $1.000000000e+00, v35;
	v26 =	vsub.f32 $1.000000000e+00, v34  }
0x1f4: {  	v23 =	vmul.f32 v39, v39;
	v30 =	vsub.f32 $1.000000000e+00, v37;
	v29 =	vsub.f32 $1.000000000e+00, v36  }
0x1f5: {  	v24 =	vadd.s32 $0x4AFB0D, v33;
	v35 =	vadd.s32 $0x4AFB0D, v27;
	v34 =	vadd.s32 $0x4AFB0D, v31  }
0x1f6: {  	v38 =	vadd.s32 $0x4AFB0D, v32;
	v37 =	vadd.s32 $0x4AFB0D, v28;
	v36 =	vadd.s32 $0x4AFB0D, v26  }
0x1f7: {  	v41 =	vshrl.u32 v35, $0x17;
	v40 =	vadd.s32 $0x4AFB0D, v30;
	v39 =	vadd.s32 $0x4AFB0D, v29  }
0x1f8: {  	v43 =	vshrl.u32 v24, $0x17;
	v42 =	vshrl.u32 v38, $0x17;
	v44 =	vshrl.u32 v34, $0x17  }
0x1f9: {  	v47 =	vshrl.u32 v37, $0x17;
	v46 =	vshrl.u32 v36, $0x17;
	v45 =	vshrl.u32 v40, $0x17  }
0x1fa: {  	v50 =	vand.u32 $0xFF800000, v35;
	v49 =	vand.u32 $0xFF800000, v34;
	v48 =	vshrl.u32 v39, $0x17  }
0x1fb: {  	v53 =	vand.u32 $0xFF800000, v24;
	v52 =	vand.u32 $0xFF800000, v38;
	v51 =	vand.u32 $0xFF800000, v37  }
0x1fc: {  	v38 =	vand.u32 $0xFF800000, v36;
	v35 =	vand.u32 $0xFF800000, v40;
	v34 =	vand.u32 $0xFF800000, v39  }
0x1fd: {  	v37 =	vadd.s32 $0xFFFFFF81, v41;
	v24 =	vadd.s32 $0xFFFFFF81, v44;
	v39 =	vadd.s32 $0xFFFFFF81, v43  }
0x1fe: {  	v42 =	vadd.s32 $0xFFFFFF81, v42;
	v41 =	vadd.s32 $0xFFFFFF81, v47;
	v40 =	vadd.s32 $0xFFFFFF81, v46  }
.Ltmp4:
0x1ff: {  	v44 =	vsub.s32 $0x7F000000, v50;
	v54 =	vadd.s32 $0xFFFFFF81, v45;
	v47 =	vadd.s32 $0xFFFFFF81, v48;
	(pc) =	sbr.rel @p0 .LBB2_11-.Ltmp4, $4  }
0x200: {  	v36 =	vcvt.s32.f32 v24;
	v45 =	vsub.s32 $0x7F000000, v49;
	v24 =	vcvt.s32.f32 v37  }
0x201: {  	v46 =	vsub.s32 $0x7F000000, v53;
	v37 =	vcvt.s32.f32 v42;
	v42 =	vcvt.s32.f32 v39  }
0x202: {  	v40 =	vcvt.s32.f32 v40;
	v43 =	vcvt.s32.f32 v41;
	v48 =	vsub.s32 $0x7F000000, v52  }
0x203: {  	s18 =	sadd.s32 $0x8, s18;
	v41 =	vcvt.s32.f32 v54;
	v39 =	vcvt.s32.f32 v47;
	v47 =	vsub.s32 $0x7F000000, v51  }
0x204: {  	v31 =	vmul.f32 v45, v31  }
0x205: {  	v21 =	vsub.s32 $0x7F000000, v38;
	v56 =	vmul.f32 v44, v27;
	v32 =	vmul.f32 v48, v32  }
0x206: {  	v33 =	vmul.f32 v46, v33;
	v57 =	vsub.s32 $0x7F000000, v34;
	v28 =	vmul.f32 v47, v28  }
0x207: {  	v59 =	vsub.s32 $0x7F000000, v35;
	v27 =	vmul.f32 $6.931471820e-01, v42;
	v35 =	vmul.f32 $6.931471820e-01, v43  }
0x208: {  	v58 =	vmul.f32 v21, v26;
	v29 =	vmul.f32 v57, v29  }
0x209: {  	v30 =	vmul.f32 v59, v30;
	v21 =	vmul.f32 $6.931471820e-01, v36  }
0x20a: {  	v36 =	vmul.f32 $6.931471820e-01, v37;
	v37 =	vmul.f32 $6.931471820e-01, v40;
	v31 =	vadd.f32 $-1.000000000e+00, v31  }
0x20b: {  	v38 =	vmul.f32 $6.931471820e-01, v41;
	v26 =	vadd.f32 $-1.000000000e+00, v56;
	v32 =	vadd.f32 $-1.000000000e+00, v32  }
0x20c: {  	v39 =	vmul.f32 $6.931471820e-01, v39;
	v28 =	vadd.f32 $-1.000000000e+00, v28;
	v40 =	vmul.f32 v31, v31  }
0x20d: {  	v33 =	vadd.f32 $-1.000000000e+00, v33;
	v41 =	vmul.f32 v26, v26;
	v42 =	vmul.f32 v32, v32  }
0x20e: {  	v34 =	vadd.f32 $-1.000000000e+00, v58;
	v45 =	vmul.f32 v28, v28;
	v62 =	vmul.f32 $1.457853620e-01, v31  }
0x20f: {  	v29 =	vadd.f32 $-1.000000000e+00, v29;
	v49 =	vmul.f32 $1.457853620e-01, v26;
	v50 =	vmul.f32 $1.457853620e-01, v33  }
0x210: {  	v30 =	vadd.f32 $-1.000000000e+00, v30;
	v51 =	vmul.f32 $1.457853620e-01, v32;
	v53 =	vmul.f32 $1.457853620e-01, v28  }
0x211: {  	v44 =	vmul.f32 v34, v34;
	v60 =	vmul.f32 v29, v29  }
0x212: {  	v61 =	vmul.f32 v30, v30;
	v52 =	vmul.f32 $1.457853620e-01, v29;
	v49 =	vsub.f32 $2.155584690e-01, v49  }
0x213: {  	v54 =	vmul.f32 $1.457853620e-01, v30;
	v50 =	vsub.f32 $2.155584690e-01, v50;
	v48 =	vsub.f32 $2.155584690e-01, v62  }
0x214: {  	v55 =	vmul.f32 $1.457853620e-01, v34;
	v51 =	vsub.f32 $2.155584690e-01, v51;
	v53 =	vsub.f32 $2.155584690e-01, v53  }
0x215: {  	v52 =	vsub.f32 $2.155584690e-01, v52;
	v48 =	vmul.f32 v48, v31;
	v49 =	vmul.f32 v49, v26  }
0x216: {  	v54 =	vsub.f32 $2.155584690e-01, v54;
	v50 =	vmul.f32 v50, v33;
	v51 =	vmul.f32 v51, v32  }
0x217: {  	v55 =	vsub.f32 $2.155584690e-01, v55;
	v53 =	vmul.f32 v53, v28;
	v52 =	vmul.f32 v52, v29  }
0x218: {  	v54 =	vmul.f32 v54, v30;
	v49 =	vadd.f32 $-2.522938550e-01, v49;
	v48 =	vadd.f32 $-2.522938550e-01, v48  }
0x219: {  	v55 =	vmul.f32 v55, v34;
	v50 =	vadd.f32 $-2.522938550e-01, v50;
	v51 =	vadd.f32 $-2.522938550e-01, v51  }
0x21a: {  	v53 =	vadd.f32 $-2.522938550e-01, v53;
	v52 =	vadd.f32 $-2.522938550e-01, v52;
	v48 =	vmul.f32 v48, v31  }
0x21b: {  	v54 =	vadd.f32 $-2.522938550e-01, v54;
	v49 =	vmul.f32 v49, v26;
	v50 =	vmul.f32 v50, v33  }
0x21c: {  	v55 =	vadd.f32 $-2.522938550e-01, v55;
	v51 =	vmul.f32 v51, v32;
	v53 =	vmul.f32 v53, v28  }
0x21d: {  	v52 =	vmul.f32 v52, v29;
	v48 =	vadd.f32 $3.329927030e-01, v48;
	v49 =	vadd.f32 $3.329927030e-01, v49  }
0x21e: {  	v54 =	vmul.f32 v54, v30;
	v53 =	vadd.f32 $3.329927030e-01, v53;
	v50 =	vadd.f32 $3.329927030e-01, v50  }
0x21f: {  	v55 =	vmul.f32 v55, v34;
	v51 =	vadd.f32 $3.329927030e-01, v51;
	v52 =	vadd.f32 $3.329927030e-01, v52  }
0x220: {  	v54 =	vadd.f32 $3.329927030e-01, v54;
	v48 =	vmul.f32 v48, v31;
	v49 =	vmul.f32 v49, v26  }
0x221: {  	v55 =	vadd.f32 $3.329927030e-01, v55;
	v53 =	vmul.f32 v53, v28;
	v50 =	vmul.f32 v50, v33  }
0x222: {  	v25 =	vsub.f32 v25, v3;
	v52 =	vmul.f32 v52, v29;
	v54 =	vmul.f32 v54, v30  }
0x223: {  	v51 =	vmul.f32 v51, v32;
	v57 =	vmul.f32 v55, v34;
	v55 =	vadd.s32 $0x4AFB0D, v5  }
0x224: {  	v59 =	vand.u32 $0xFF800000, v55;
	v52 =	vadd.f32 $-4.999788110e-01, v52;
	v63 =	vadd.f32 $-4.999788110e-01, v54  }
0x225: {  	v53 =	vadd.f32 $-4.999788110e-01, v53;
	v49 =	vadd.f32 $-4.999788110e-01, v49;
	v47 =	vsub.s32 $0x7F000000, v59  }
0x226: {  	v59 =	vadd.f32 $-4.999788110e-01, v50;
	v46 =	vmul.f32 v52, v60;
	v58 =	vmul.f32 v63, v61  }
0x227: {  	v60 =	vadd.f32 $-4.999788110e-01, v57;
	v61 =	vmul.f32 v47, v5;
	v52 =	vadd.f32 $-4.999788110e-01, v51  }
0x228: {  	v63 =	vmul.f32 v53, v45;
	v53 =	vadd.f32 $-4.999788110e-01, v48;
	v29 =	vadd.f32 v46, v29  }
0x229: {  	v43 =	vmul.f32 v33, v33;
	v30 =	vadd.f32 v58, v30;
	v5 =	vadd.f32 $-1.000000000e+00, v61  }
0x22a: {  	v62 =	vmul.f32 v60, v44;
	v28 =	vadd.f32 v63, v28;
	v58 =	vmul.f32 v52, v42  }
0x22b: {  	v44 =	vmul.f32 $1.280000000e+02, v3;
	v29 =	vadd.f32 v29, v39;
	v57 =	vmul.f32 $-1.457853620e-01, v5  }
0x22c: {  	v16 =	vld.idx.msk [tilespmem:v16+s12+$0x0], $0xffff;
	v47 =	vmul.f32 v53, v40;
	v54 =	vadd.f32 v30, v38;
	v56 =	vadd.f32 v62, v34  }
0x22d: {  	v20 =	vld.idx.msk [tilespmem:v20+s12+$0x0], $0xffff;
	v52 =	vmul.f32 v49, v41;
	v28 =	vadd.f32 v28, v35;
	v62 =	vadd.f32 $2.155584690e-01, v57  }
0x22e: {  	v63 =	vadd.f32 v58, v32;
	v48 =	vmul.f32 v3, v44;
	v3 =	vmul.f32 $-1.625600000e+04, v3  }
0x22f: {  	v51 =	vadd.f32 v47, v31;
	v19 =	vmul.f32 v29, v19;
	v39 =	vmul.f32 v62, v5  }
0x230: {  	v15 =	vld.idx.msk [tilespmem:v15+s12+$0x0], $0xffff;
	v58 =	vmul.f32 v5, v5;
	v60 =	vmul.f32 v54, v23;
	v61 =	vadd.f32 v56, v37  }
0x231: {  	v13 =	vld.idx.msk [tilespmem:v13+s12+$0x0], $0xffff;
	v37 =	vmul.f32 v59, v43;
	v16 =	vmul.f32 v19, v16;
	v19 =	vadd.f32 $-2.522938550e-01, v39  }
0x232: {  	v43 =	vadd.f32 v63, v36;
	v18 =	vmul.f32 v28, v18;
	v38 =	vmul.f32 v60, v20  }
0x233: {  	v42 =	vmul.f32 v61, v22;
	v12 =	vadd.f32 v16, v12;
	v19 =	vmul.f32 v19, v5  }
0x234: {  	v3 =	vadd.f32 v3, v48;
	v54 =	vadd.f32 v51, v21;
	v56 =	vmul.f32 $6.931471820e-01, v24  }
0x235: {  	v10 =	vld.idx.msk [tilespmem:v10+s12+$0x0], $0xffff;
	v15 =	vmul.f32 v42, v15;
	v12 =	vadd.f32 v38, v12;
	v53 =	vadd.f32 $3.329927030e-01, v19  }
0x236: {  	v59 =	vmul.f32 v25, v25;
	v45 =	vadd.f32 v37, v33;
	v13 =	vmul.f32 v18, v13  }
0x237: {  	v7 =	vld.idx.msk [tilespmem:v7+s12+$0x0], $0xffff;
	v3 =	vadd.f32 $6.908800000e+05, v3;
	v12 =	vadd.f32 v15, v12;
	v15 =	vmul.f32 v53, v5  }
0x238: {  	v17 =	vmul.f32 v43, v17;
	v50 =	vadd.f32 v45, v27;
	v16 =	vadd.f32 v52, v26  }
0x239: {  	v6 =	vld.idx.msk [tilespmem:v6+s12+$0x0], $0xffff;
	(erf) = vrcp.f32 v3;
	v3 =	vshrl.u32 v55, $0x17;
	v57 =	vadd.f32 $-4.999788110e-01, v15  }
0x23a: {  	v10 =	vmul.f32 v17, v10;
	v3 =	vadd.s32 $0xFFFFFF81, v3;
	v14 =	vmul.f32 v50, v14  }
0x23b: {  	v3 =	vcvt.s32.f32 v3;
	v12 =	vadd.f32 v13, v12;
	v13 =	vmul.f32 v57, v58  }
0x23c: {  	v4 =	vld.idx.msk [tilespmem:v4+s12+$0x0], $0xffff;
	v11 =	vmul.f32 v54, v11;
	v16 =	vadd.f32 v16, v56;
	v7 =	vmul.f32 v14, v7  }
0x23d: {  	v3 =	vmul.f32 $6.931471820e-01, v3;
	v10 =	vadd.f32 v10, v12;
	v5 =	vadd.f32 v13, v5  }
0x23e: {  	v6 =	vmul.f32 v11, v6  }
0x23f: {  	v60 =	vmul.f32 v16, v59;
	v7 =	vadd.f32 v7, v10;
	v3 =	vadd.f32 v5, v3;
	_ =	sdelay $0x1  }
0x240: {  	s16 =	sadd.s32 $0x1, s16;
	v4 =	vmul.f32 v60, v4;
	v61 =	vadd.f32 v6, v7;
	v3 =	vsub.f32 v8, v3  }
0x241: {  	p0 =	sne.s32 s16, $0xA;
	v62 =	vpop (erf)  }
.Ltmp5:
0x242: {  	v63 =	vmul.f32 $1.270000000e+02, v62;
	v4 =	vadd.f32 v4, v61;
	v3 =	vmul.f32 v3, v9;
	(pc) =	sbr.rel @p0 .LBB2_8-.Ltmp5, $3  }
0x243: {  	_ = 	snop  }
0x244: {  	v2 =	vadd.f32 v3, v2;
	v3 =	vmul.f32 v4, v63;
	_ =	sdelay $0x1  }
0x245: {  	v2 =	vadd.f32 v3, v2  }
0x246: {  	_ = 	snop  }
0x247: {  	s15 =	sadd.s32 $0x1, s15;
	v2 =	vmul.f32 $-1.000000050e-03, v2  }
0x248: {  	p0 =	sne.s32 s15, s8  }
.Ltmp6:
0x249: {  	[tilespmem:$0x9180] =	vst v2;
	(pc) =	sbr.rel @p0 .LBB2_1-.Ltmp6, $4  }
0x24a: {  	[hbm4b:s7+s3] =	stream.linear.scatter [tilespmem:s14], [sflag:$0x2], $0x80, $0x38;
	[tilespmem:$0x9200] =	vst v63  }
0x24b: {  	_ =	swait.ge [sflag:s10], $0x80  }
0x24c: {  	[sflag:s10] =	ssyncset.done $0x0  }
0x24d: {  	[sflag:s10] =	ssyncadd.s32 $0xFFFFFF80  }
0x24e: {  	_ =	sfence.sel $0x180000  }
0x24f: {  	[bflag:$0x0] =	sbarrier.arrive $0xFFFF  }
0x250: {  	p0 =	sne.s32 s1, $0x0;
	_ =	strace $0x90000047  }
0x251: {  	s0 =	sadd.s32 @!p0 $0x100000, s0;
	[bflag:$0x2] =	sbarrier.arrive $0xFFFF  }
0x252: {  	[sflag:s0] =	ssyncadd.tile.s32 @!p0 $0x1;
	_ =	shalt  }
.Lfunc_end2:
_tile_overlayer_lowered:
.L_overlay_start_2:
0x253: {  	(tag) =	ssettag $0x2  }
0x254: {  	s0 =	rddreg [dreg:$0x0];
	s2 =	stileid.u32  }
0x255: {  	s1 =	rddreg [dreg:$0x1];
	p0 =	sne.s32 s2, $0x0  }
0x256: {  	s3 =	rddreg [dreg:$0x2];
	[bflag:$0x3] =	sbarrier.arrive $0xFFFF;
	s2 =	simm.s32 @!p0 $0x1C02  }
0x257: {  	[timem:s3], [sflag:s2] =	dma.local @!p0 [hbm:s0], s1  }
0x258: {  	s0 =	simm.s32 @!p0 $0x2  }
0x259: {  	_ =	swait.ge @!p0 [sflag:s0], s1  }
0x25a: {  	s1 =	ssub.s32 @!p0 $0x0, s1;
	[sflag:s0] =	ssyncset.done @!p0 $0x0  }
0x25b: {  	[sflag:s0] =	ssyncadd.s32 @!p0 s1  }
0x25c: {  	[bflag:$0x3] =	sbarrier.arrive $0xFFFF  }
0x25d: {  	_ =	shalt  }

</sc_bundles>
